<compile_context>
chip_gen: v7x
topology: tpu7x:2x2x1
jax: 0.10.2.dev20260603
libtpu: 0.0.44.dev20260713+nightly
codegen_flags: <defaults>
</compile_context>

<pallas_src>
import functools

import jax
import jax.numpy as jnp
from jax.experimental import pallas as pl
from jax.experimental.pallas import tpu as pltpu
from jax.experimental.pallas import tpu_sc as plsc

N_CORES = 2
N_SUBCORES = 16
NW = N_CORES * N_SUBCORES
BATCH = 16384
D_MODEL = 128
CHUNK = 128
B_PER_W = BATCH // NW
N_CHUNKS = B_PER_W // CHUNK
NBUF = 7


def _make_kernel():
  mesh = plsc.VectorSubcoreMesh(
      core_axis_name="c", subcore_axis_name="s",
      num_cores=N_CORES, num_subcores=N_SUBCORES)
  out_type = (jax.ShapeDtypeStruct((BATCH, D_MODEL), jnp.float32),) * 3
  scratch = (
      [pltpu.VMEM((B_PER_W,), jnp.int32)] * 3
      + [pltpu.VMEM((CHUNK, D_MODEL), jnp.float32)] * NBUF
      + [pltpu.SemaphoreType.DMA] * (2 * NBUF + 3)
      + [pltpu.VMEM_SHARED((1000, D_MODEL), jnp.float32)]
  )

  @functools.partial(
      pl.kernel, out_type=out_type, mesh=mesh, scratch_types=scratch)
  def trans_e_gather(qe_h, qr_h, oe_h, ent_h, rel_h,
                     out_qe, out_qr, out_oe, *scr):
    idx_q, idx_r, idx_o = scr[0:3]
    bufs = scr[3:3 + NBUF]
    gsems = scr[3 + NBUF:3 + 2 * NBUF]
    osems = scr[3 + 2 * NBUF:3 + 3 * NBUF]
    isems = scr[3 + 3 * NBUF:3 + 3 * NBUF + 3]
    rel_sh = scr[3 + 3 * NBUF + 3]

    wid = jax.lax.axis_index("s") * N_CORES + jax.lax.axis_index("c")
    row_base = wid * B_PER_W

    icopies = [
        pltpu.async_copy(src.at[pl.ds(row_base, B_PER_W)], dst, sem)
        for src, dst, sem in ((qe_h, idx_q, isems[0]),
                              (qr_h, idx_r, isems[1]),
                              (oe_h, idx_o, isems[2]))
    ]

    def task(idx_ref, c, tab, out):
      return (idx_ref.at[pl.ds(c * CHUNK, CHUNK)], tab,
              out.at[pl.ds(row_base + c * CHUNK, CHUNK)])

    tasks = [
        task(idx_q, 0, ent_h, out_qe), task(idx_o, 0, ent_h, out_oe),
        task(idx_q, 1, ent_h, out_qe), task(idx_o, 1, ent_h, out_oe),
        task(idx_r, 0, rel_sh, out_qr), task(idx_q, 2, ent_h, out_qe),
        task(idx_r, 1, rel_sh, out_qr), task(idx_o, 2, ent_h, out_oe),
        task(idx_r, 2, rel_sh, out_qr), task(idx_q, 3, ent_h, out_qe),
        task(idx_r, 3, rel_sh, out_qr), task(idx_o, 3, ent_h, out_oe),
    ]
    nt = len(tasks)

    def start_gather(t):
      idx_s, tab, _ = tasks[t]
      return pltpu.async_copy(tab.at[idx_s], bufs[t % NBUF], gsems[t % NBUF])

    g = {}
    o = {}
    for ic in icopies:
      ic.wait()
    for t in range(4):
      g[t] = start_gather(t)
    @pl.when(jax.lax.axis_index("s") == 0)
    def _():
      pltpu.sync_copy(rel_h, rel_sh)
    plsc.subcore_barrier()
    for t in range(nt):
      g[t].wait()
      o[t] = pltpu.async_copy(bufs[t % NBUF], tasks[t][2], osems[t % NBUF])
      if t + 4 < nt:
        if t >= 3:
          o[t - 3].wait()
        g[t + 4] = start_gather(t + 4)
    for t in range(nt - 7, nt):
      o[t].wait()

  return trans_e_gather


_KERNEL = _make_kernel()


def kernel(query_entities, query_relations, obj_entities, ent_table, rel_table):
  return _KERNEL(query_entities, query_relations, obj_entities,
                 ent_table, rel_table)

# --- scband reference (transcript-rebuilt; emitter-appended) ---
"""Pipeline reference for scband-trans-e-11879879541069 (READ-ONLY COPY).

The authoritative reference and input builder live on the scoring server;
editing this copy changes nothing except your own understanding.
"""

import jax, jax.numpy as jnp
import numpy as np

N_ENT = 100000
N_REL = 1000
D_MODEL = 128
BATCH = 16384

def setup_inputs(seed: int = 0) -> dict:
    key = jax.random.key(seed)
    k1, k2, k3, k4, k5 = jax.random.split(key, 5)
    query_entities = jax.random.randint(k1, (BATCH,), 0, N_ENT, dtype=jnp.int32)
    query_relations = jax.random.randint(k2, (BATCH,), 0, N_REL, dtype=jnp.int32)
    obj_entities = jax.random.randint(k3, (BATCH,), 0, N_ENT, dtype=jnp.int32)
    ent_table = jax.random.normal(k4, (N_ENT, D_MODEL), dtype=jnp.float32) * 0.02
    rel_table = jax.random.normal(k5, (N_REL, D_MODEL), dtype=jnp.float32) * 0.02
    return {
        "query_entities": query_entities,
        "query_relations": query_relations,
        "obj_entities": obj_entities,
        "ent_table": ent_table,
        "rel_table": rel_table,
    }

def reference(query_entities, query_relations, obj_entities, ent_table, rel_table):
    # Faithful translation of TransE.forward: three embedding gathers.
    # encoder.get_rel_embedding(query_relations) -> rel_table[query_relations]
    # encoder.get_ent_embedding(query_entities)  -> ent_table[query_entities]
    # encoder.get_ent_embedding(obj_entities)    -> ent_table[obj_entities]
    query_rel_embeds = jnp.take(rel_table, query_relations, axis=0)
    query_ent_embeds = jnp.take(ent_table, query_entities, axis=0)
    obj_embeds = jnp.take(ent_table, obj_entities, axis=0)
    return (query_ent_embeds, query_rel_embeds, obj_embeds)

if __name__ == "__main__":
    import jax
    _d = setup_inputs()
    print(jax.jit(kernel)(*tuple(_d.values())))

</pallas_src>

<mosaic_0001>
#map = affine_map<(d0, d1) -> (0)>
#map1 = affine_map<(d0, d1) -> (0, 0)>
module attributes {stable_mosaic.version = 14 : i64} {
  func.func @trans_e_gather(%arg0: i32, %arg1: i32, %arg2: memref<16384xi32, #tpu.memory_space<hbm>>, %arg3: memref<16384xi32, #tpu.memory_space<hbm>>, %arg4: memref<16384xi32, #tpu.memory_space<hbm>>, %arg5: memref<100000x128xf32, #tpu.memory_space<hbm>>, %arg6: memref<1000x128xf32, #tpu.memory_space<hbm>>, %arg7: memref<16384x128xf32, #tpu.memory_space<hbm>>, %arg8: memref<16384x128xf32, #tpu.memory_space<hbm>>, %arg9: memref<16384x128xf32, #tpu.memory_space<hbm>>, %arg10: memref<512xi32, #tpu.memory_space<vmem>>, %arg11: memref<512xi32, #tpu.memory_space<vmem>>, %arg12: memref<512xi32, #tpu.memory_space<vmem>>, %arg13: memref<128x128xf32, #tpu.memory_space<vmem>>, %arg14: memref<128x128xf32, #tpu.memory_space<vmem>>, %arg15: memref<128x128xf32, #tpu.memory_space<vmem>>, %arg16: memref<128x128xf32, #tpu.memory_space<vmem>>, %arg17: memref<128x128xf32, #tpu.memory_space<vmem>>, %arg18: memref<128x128xf32, #tpu.memory_space<vmem>>, %arg19: memref<128x128xf32, #tpu.memory_space<vmem>>, %arg20: memref<!tpu.dma_semaphore, #tpu.memory_space<semaphore_mem>>, %arg21: memref<!tpu.dma_semaphore, #tpu.memory_space<semaphore_mem>>, %arg22: memref<!tpu.dma_semaphore, #tpu.memory_space<semaphore_mem>>, %arg23: memref<!tpu.dma_semaphore, #tpu.memory_space<semaphore_mem>>, %arg24: memref<!tpu.dma_semaphore, #tpu.memory_space<semaphore_mem>>, %arg25: memref<!tpu.dma_semaphore, #tpu.memory_space<semaphore_mem>>, %arg26: memref<!tpu.dma_semaphore, #tpu.memory_space<semaphore_mem>>, %arg27: memref<!tpu.dma_semaphore, #tpu.memory_space<semaphore_mem>>, %arg28: memref<!tpu.dma_semaphore, #tpu.memory_space<semaphore_mem>>, %arg29: memref<!tpu.dma_semaphore, #tpu.memory_space<semaphore_mem>>, %arg30: memref<!tpu.dma_semaphore, #tpu.memory_space<semaphore_mem>>, %arg31: memref<!tpu.dma_semaphore, #tpu.memory_space<semaphore_mem>>, %arg32: memref<!tpu.dma_semaphore, #tpu.memory_space<semaphore_mem>>, %arg33: memref<!tpu.dma_semaphore, #tpu.memory_space<semaphore_mem>>, %arg34: memref<!tpu.dma_semaphore, #tpu.memory_space<semaphore_mem>>, %arg35: memref<!tpu.dma_semaphore, #tpu.memory_space<semaphore_mem>>, %arg36: memref<!tpu.dma_semaphore, #tpu.memory_space<semaphore_mem>>, %arg37: memref<1000x128xf32, #tpu.memory_space<vmem_shared>>) attributes {dimension_semantics = [#tpu.dimension_semantics<core_parallel>, #tpu.dimension_semantics<subcore_parallel>], iteration_bounds = array<i64: 2, 16>, scalar_prefetch = 0 : i64, scratch_operands = 28 : i64, tpu.core_type = #tpu.core_type<sc_vector_subcore>, window_params = [{transform_indices = #map}, {transform_indices = #map}, {transform_indices = #map}, {transform_indices = #map1}, {transform_indices = #map1}, {transform_indices = #map1}, {transform_indices = #map1}, {transform_indices = #map1}]} {
    %mul3A = arith.constant 2 : i32
    %mul3A_0 = arith.muli %arg1, %mul3A : i32
    %add3A = arith.addi %mul3A_0, %arg0 : i32
    %mul3A_1 = arith.constant 512 : i32
    %mul3A_2 = arith.muli %add3A, %mul3A_1 : i32
    %dma_start3A = tpu.memref_slice %arg2[%mul3A_2] : memref<16384xi32, #tpu.memory_space<hbm>> -> memref<512xi32, #tpu.memory_space<hbm>>
    %dma_start3A_3 = tpu.memref_slice %arg2[%mul3A_2] : memref<16384xi32, #tpu.memory_space<hbm>> -> memref<512xi32, #tpu.memory_space<hbm>>
    tpu.enqueue_dma source(%dma_start3A_3 : memref<512xi32, #tpu.memory_space<hbm>>) target(%arg10 : memref<512xi32, #tpu.memory_space<vmem>>) target_semaphore(%arg34 : memref<!tpu.dma_semaphore, #tpu.memory_space<semaphore_mem>>)
    %dma_start3A_4 = tpu.memref_slice %arg3[%mul3A_2] : memref<16384xi32, #tpu.memory_space<hbm>> -> memref<512xi32, #tpu.memory_space<hbm>>
    %dma_start3A_5 = tpu.memref_slice %arg3[%mul3A_2] : memref<16384xi32, #tpu.memory_space<hbm>> -> memref<512xi32, #tpu.memory_space<hbm>>
    tpu.enqueue_dma source(%dma_start3A_5 : memref<512xi32, #tpu.memory_space<hbm>>) target(%arg11 : memref<512xi32, #tpu.memory_space<vmem>>) target_semaphore(%arg35 : memref<!tpu.dma_semaphore, #tpu.memory_space<semaphore_mem>>)
    %dma_start3A_6 = tpu.memref_slice %arg4[%mul3A_2] : memref<16384xi32, #tpu.memory_space<hbm>> -> memref<512xi32, #tpu.memory_space<hbm>>
    %dma_start3A_7 = tpu.memref_slice %arg4[%mul3A_2] : memref<16384xi32, #tpu.memory_space<hbm>> -> memref<512xi32, #tpu.memory_space<hbm>>
    tpu.enqueue_dma source(%dma_start3A_7 : memref<512xi32, #tpu.memory_space<hbm>>) target(%arg12 : memref<512xi32, #tpu.memory_space<vmem>>) target_semaphore(%arg36 : memref<!tpu.dma_semaphore, #tpu.memory_space<semaphore_mem>>)
    %add3A_8 = arith.constant 0 : i32
    %add3A_9 = arith.addi %mul3A_2, %add3A_8 : i32
    %add3A_10 = arith.constant 0 : i32
    %add3A_11 = arith.addi %mul3A_2, %add3A_10 : i32
    %add3A_12 = arith.constant 128 : i32
    %add3A_13 = arith.addi %mul3A_2, %add3A_12 : i32
    %add3A_14 = arith.constant 128 : i32
    %add3A_15 = arith.addi %mul3A_2, %add3A_14 : i32
    %add3A_16 = arith.constant 0 : i32
    %add3A_17 = arith.addi %mul3A_2, %add3A_16 : i32
    %add3A_18 = arith.constant 256 : i32
    %add3A_19 = arith.addi %mul3A_2, %add3A_18 : i32
    %add3A_20 = arith.constant 128 : i32
    %add3A_21 = arith.addi %mul3A_2, %add3A_20 : i32
    %add3A_22 = arith.constant 256 : i32
    %add3A_23 = arith.addi %mul3A_2, %add3A_22 : i32
    %add3A_24 = arith.constant 256 : i32
    %add3A_25 = arith.addi %mul3A_2, %add3A_24 : i32
    %add3A_26 = arith.constant 384 : i32
    %add3A_27 = arith.addi %mul3A_2, %add3A_26 : i32
    %add3A_28 = arith.constant 384 : i32
    %add3A_29 = arith.addi %mul3A_2, %add3A_28 : i32
    %add3A_30 = arith.constant 384 : i32
    %add3A_31 = arith.addi %mul3A_2, %add3A_30 : i32
    %dma_wait3A = tpu.memref_slice %arg2[%mul3A_2] : memref<16384xi32, #tpu.memory_space<hbm>> -> memref<512xi32, #tpu.memory_space<hbm>>
    %dma_wait3A_32 = tpu.memref_slice %arg2[%mul3A_2] : memref<16384xi32, #tpu.memory_space<hbm>> -> memref<512xi32, #tpu.memory_space<hbm>>
    tpu.wait_dma2 semaphore(%arg34 : memref<!tpu.dma_semaphore, #tpu.memory_space<semaphore_mem>>) src(%dma_wait3A_32 : memref<512xi32, #tpu.memory_space<hbm>>) dst(%arg10 : memref<512xi32, #tpu.memory_space<vmem>>)
    %dma_wait3A_33 = tpu.memref_slice %arg3[%mul3A_2] : memref<16384xi32, #tpu.memory_space<hbm>> -> memref<512xi32, #tpu.memory_space<hbm>>
    %dma_wait3A_34 = tpu.memref_slice %arg3[%mul3A_2] : memref<16384xi32, #tpu.memory_space<hbm>> -> memref<512xi32, #tpu.memory_space<hbm>>
    tpu.wait_dma2 semaphore(%arg35 : memref<!tpu.dma_semaphore, #tpu.memory_space<semaphore_mem>>) src(%dma_wait3A_34 : memref<512xi32, #tpu.memory_space<hbm>>) dst(%arg11 : memref<512xi32, #tpu.memory_space<vmem>>)
    %dma_wait3A_35 = tpu.memref_slice %arg4[%mul3A_2] : memref<16384xi32, #tpu.memory_space<hbm>> -> memref<512xi32, #tpu.memory_space<hbm>>
    %dma_wait3A_36 = tpu.memref_slice %arg4[%mul3A_2] : memref<16384xi32, #tpu.memory_space<hbm>> -> memref<512xi32, #tpu.memory_space<hbm>>
    tpu.wait_dma2 semaphore(%arg36 : memref<!tpu.dma_semaphore, #tpu.memory_space<semaphore_mem>>) src(%dma_wait3A_36 : memref<512xi32, #tpu.memory_space<hbm>>) dst(%arg12 : memref<512xi32, #tpu.memory_space<vmem>>)
    %dma_start3A_37 = arith.constant 0 : i32
    %dma_start3A_38 = tpu.memref_slice %arg10[%dma_start3A_37] : memref<512xi32, #tpu.memory_space<vmem>> -> memref<128xi32, #tpu.memory_space<vmem>>
    %dma_start3A_39 = arith.constant 0 : i32
    %dma_start3A_40 = arith.constant 0 : i32
    %dma_start3A_41 = tpu.memref_slice %arg5[%dma_start3A_39, %dma_start3A_40] : memref<100000x128xf32, #tpu.memory_space<hbm>> -> memref<100000x128xf32, #tpu.memory_space<hbm>>
    tpu.enqueue_indirect_dma source(%dma_start3A_41 : memref<100000x128xf32, #tpu.memory_space<hbm>>) target(%arg13 : memref<128x128xf32, #tpu.memory_space<vmem>>) offsets(%dma_start3A_38 : memref<128xi32, #tpu.memory_space<vmem>>) semaphore(%arg20 : memref<!tpu.dma_semaphore, #tpu.memory_space<semaphore_mem>>)
    %dma_start3A_42 = arith.constant 0 : i32
    %dma_start3A_43 = tpu.memref_slice %arg12[%dma_start3A_42] : memref<512xi32, #tpu.memory_space<vmem>> -> memref<128xi32, #tpu.memory_space<vmem>>
    %dma_start3A_44 = arith.constant 0 : i32
    %dma_start3A_45 = arith.constant 0 : i32
    %dma_start3A_46 = tpu.memref_slice %arg5[%dma_start3A_44, %dma_start3A_45] : memref<100000x128xf32, #tpu.memory_space<hbm>> -> memref<100000x128xf32, #tpu.memory_space<hbm>>
    tpu.enqueue_indirect_dma source(%dma_start3A_46 : memref<100000x128xf32, #tpu.memory_space<hbm>>) target(%arg14 : memref<128x128xf32, #tpu.memory_space<vmem>>) offsets(%dma_start3A_43 : memref<128xi32, #tpu.memory_space<vmem>>) semaphore(%arg21 : memref<!tpu.dma_semaphore, #tpu.memory_space<semaphore_mem>>)
    %dma_start3A_47 = arith.constant 128 : i32
    %dma_start3A_48 = tpu.memref_slice %arg10[%dma_start3A_47] : memref<512xi32, #tpu.memory_space<vmem>> -> memref<128xi32, #tpu.memory_space<vmem>>
    %dma_start3A_49 = arith.constant 0 : i32
    %dma_start3A_50 = arith.constant 0 : i32
    %dma_start3A_51 = tpu.memref_slice %arg5[%dma_start3A_49, %dma_start3A_50] : memref<100000x128xf32, #tpu.memory_space<hbm>> -> memref<100000x128xf32, #tpu.memory_space<hbm>>
    tpu.enqueue_indirect_dma source(%dma_start3A_51 : memref<100000x128xf32, #tpu.memory_space<hbm>>) target(%arg15 : memref<128x128xf32, #tpu.memory_space<vmem>>) offsets(%dma_start3A_48 : memref<128xi32, #tpu.memory_space<vmem>>) semaphore(%arg22 : memref<!tpu.dma_semaphore, #tpu.memory_space<semaphore_mem>>)
    %dma_start3A_52 = arith.constant 128 : i32
    %dma_start3A_53 = tpu.memref_slice %arg12[%dma_start3A_52] : memref<512xi32, #tpu.memory_space<vmem>> -> memref<128xi32, #tpu.memory_space<vmem>>
    %dma_start3A_54 = arith.constant 0 : i32
    %dma_start3A_55 = arith.constant 0 : i32
    %dma_start3A_56 = tpu.memref_slice %arg5[%dma_start3A_54, %dma_start3A_55] : memref<100000x128xf32, #tpu.memory_space<hbm>> -> memref<100000x128xf32, #tpu.memory_space<hbm>>
    tpu.enqueue_indirect_dma source(%dma_start3A_56 : memref<100000x128xf32, #tpu.memory_space<hbm>>) target(%arg16 : memref<128x128xf32, #tpu.memory_space<vmem>>) offsets(%dma_start3A_53 : memref<128xi32, #tpu.memory_space<vmem>>) semaphore(%arg23 : memref<!tpu.dma_semaphore, #tpu.memory_space<semaphore_mem>>)
    %eq3A = arith.constant 0 : i32
    %eq3A_57 = arith.cmpi eq, %arg1, %eq3A : i32
    %convert_element_type3A = arith.extui %eq3A_57 : i1 to i32
    %cond3A = arith.constant 0 : i32
    %cond3A_58 = arith.cmpi ne, %convert_element_type3A, %cond3A : i32
    scf.if %cond3A_58 {
      "tpu.region"() ({
        %run_scoped3A = tpu.sem_alloc : memref<!tpu.dma_semaphore, #tpu.memory_space<semaphore_mem>>
        tpu.enqueue_dma source(%arg6 : memref<1000x128xf32, #tpu.memory_space<hbm>>) target(%arg37 : memref<1000x128xf32, #tpu.memory_space<vmem_shared>>) target_semaphore(%run_scoped3A : memref<!tpu.dma_semaphore, #tpu.memory_space<semaphore_mem>>)
        tpu.wait_dma2 semaphore(%run_scoped3A : memref<!tpu.dma_semaphore, #tpu.memory_space<semaphore_mem>>) src(%arg6 : memref<1000x128xf32, #tpu.memory_space<hbm>>) dst(%arg37 : memref<1000x128xf32, #tpu.memory_space<vmem_shared>>)
        tpu.yield
      }) : () -> ()
    } else {
    }
    %barrier3A = arith.constant 0 : index
    tpu.barrier barrier_id(%barrier3A)
    %dma_wait3A_59 = arith.constant 0 : i32
    %dma_wait3A_60 = tpu.memref_slice %arg10[%dma_wait3A_59] : memref<512xi32, #tpu.memory_space<vmem>> -> memref<128xi32, #tpu.memory_space<vmem>>
    %dma_wait3A_61 = arith.constant 0 : i32
    %dma_wait3A_62 = arith.constant 0 : i32
    %dma_wait3A_63 = tpu.memref_slice %arg5[%dma_wait3A_61, %dma_wait3A_62] : memref<100000x128xf32, #tpu.memory_space<hbm>> -> memref<100000x128xf32, #tpu.memory_space<hbm>>
    tpu.wait_indirect_dma semaphore(%arg20 : memref<!tpu.dma_semaphore, #tpu.memory_space<semaphore_mem>>) src(%dma_wait3A_63 : memref<100000x128xf32, #tpu.memory_space<hbm>>) dst(%arg13 : memref<128x128xf32, #tpu.memory_space<vmem>>)
    %dma_start3A_64 = arith.constant 0 : i32
    %dma_start3A_65 = tpu.memref_slice %arg7[%add3A_9, %dma_start3A_64] : memref<16384x128xf32, #tpu.memory_space<hbm>> -> memref<128x128xf32, #tpu.memory_space<hbm>>
    %dma_start3A_66 = arith.constant 0 : i32
    %dma_start3A_67 = tpu.memref_slice %arg7[%add3A_9, %dma_start3A_66] : memref<16384x128xf32, #tpu.memory_space<hbm>> -> memref<128x128xf32, #tpu.memory_space<hbm>>
    tpu.enqueue_dma source(%arg13 : memref<128x128xf32, #tpu.memory_space<vmem>>) target(%dma_start3A_67 : memref<128x128xf32, #tpu.memory_space<hbm>>) target_semaphore(%arg27 : memref<!tpu.dma_semaphore, #tpu.memory_space<semaphore_mem>>)
    %dma_start3A_68 = arith.constant 0 : i32
    %dma_start3A_69 = tpu.memref_slice %arg11[%dma_start3A_68] : memref<512xi32, #tpu.memory_space<vmem>> -> memref<128xi32, #tpu.memory_space<vmem>>
    %dma_start3A_70 = arith.constant 0 : i32
    %dma_start3A_71 = arith.constant 0 : i32
    %dma_start3A_72 = tpu.memref_slice %arg37[%dma_start3A_70, %dma_start3A_71] : memref<1000x128xf32, #tpu.memory_space<vmem_shared>> -> memref<1000x128xf32, #tpu.memory_space<vmem_shared>>
    tpu.enqueue_indirect_dma source(%dma_start3A_72 : memref<1000x128xf32, #tpu.memory_space<vmem_shared>>) target(%arg17 : memref<128x128xf32, #tpu.memory_space<vmem>>) offsets(%dma_start3A_69 : memref<128xi32, #tpu.memory_space<vmem>>) semaphore(%arg24 : memref<!tpu.dma_semaphore, #tpu.memory_space<semaphore_mem>>)
    %dma_wait3A_73 = arith.constant 0 : i32
    %dma_wait3A_74 = tpu.memref_slice %arg12[%dma_wait3A_73] : memref<512xi32, #tpu.memory_space<vmem>> -> memref<128xi32, #tpu.memory_space<vmem>>
    %dma_wait3A_75 = arith.constant 0 : i32
    %dma_wait3A_76 = arith.constant 0 : i32
    %dma_wait3A_77 = tpu.memref_slice %arg5[%dma_wait3A_75, %dma_wait3A_76] : memref<100000x128xf32, #tpu.memory_space<hbm>> -> memref<100000x128xf32, #tpu.memory_space<hbm>>
    tpu.wait_indirect_dma semaphore(%arg21 : memref<!tpu.dma_semaphore, #tpu.memory_space<semaphore_mem>>) src(%dma_wait3A_77 : memref<100000x128xf32, #tpu.memory_space<hbm>>) dst(%arg14 : memref<128x128xf32, #tpu.memory_space<vmem>>)
    %dma_start3A_78 = arith.constant 0 : i32
    %dma_start3A_79 = tpu.memref_slice %arg9[%add3A_11, %dma_start3A_78] : memref<16384x128xf32, #tpu.memory_space<hbm>> -> memref<128x128xf32, #tpu.memory_space<hbm>>
    %dma_start3A_80 = arith.constant 0 : i32
    %dma_start3A_81 = tpu.memref_slice %arg9[%add3A_11, %dma_start3A_80] : memref<16384x128xf32, #tpu.memory_space<hbm>> -> memref<128x128xf32, #tpu.memory_space<hbm>>
    tpu.enqueue_dma source(%arg14 : memref<128x128xf32, #tpu.memory_space<vmem>>) target(%dma_start3A_81 : memref<128x128xf32, #tpu.memory_space<hbm>>) target_semaphore(%arg28 : memref<!tpu.dma_semaphore, #tpu.memory_space<semaphore_mem>>)
    %dma_start3A_82 = arith.constant 256 : i32
    %dma_start3A_83 = tpu.memref_slice %arg10[%dma_start3A_82] : memref<512xi32, #tpu.memory_space<vmem>> -> memref<128xi32, #tpu.memory_space<vmem>>
    %dma_start3A_84 = arith.constant 0 : i32
    %dma_start3A_85 = arith.constant 0 : i32
    %dma_start3A_86 = tpu.memref_slice %arg5[%dma_start3A_84, %dma_start3A_85] : memref<100000x128xf32, #tpu.memory_space<hbm>> -> memref<100000x128xf32, #tpu.memory_space<hbm>>
    tpu.enqueue_indirect_dma source(%dma_start3A_86 : memref<100000x128xf32, #tpu.memory_space<hbm>>) target(%arg18 : memref<128x128xf32, #tpu.memory_space<vmem>>) offsets(%dma_start3A_83 : memref<128xi32, #tpu.memory_space<vmem>>) semaphore(%arg25 : memref<!tpu.dma_semaphore, #tpu.memory_space<semaphore_mem>>)
    %dma_wait3A_87 = arith.constant 128 : i32
    %dma_wait3A_88 = tpu.memref_slice %arg10[%dma_wait3A_87] : memref<512xi32, #tpu.memory_space<vmem>> -> memref<128xi32, #tpu.memory_space<vmem>>
    %dma_wait3A_89 = arith.constant 0 : i32
    %dma_wait3A_90 = arith.constant 0 : i32
    %dma_wait3A_91 = tpu.memref_slice %arg5[%dma_wait3A_89, %dma_wait3A_90] : memref<100000x128xf32, #tpu.memory_space<hbm>> -> memref<100000x128xf32, #tpu.memory_space<hbm>>
    tpu.wait_indirect_dma semaphore(%arg22 : memref<!tpu.dma_semaphore, #tpu.memory_space<semaphore_mem>>) src(%dma_wait3A_91 : memref<100000x128xf32, #tpu.memory_space<hbm>>) dst(%arg15 : memref<128x128xf32, #tpu.memory_space<vmem>>)
    %dma_start3A_92 = arith.constant 0 : i32
    %dma_start3A_93 = tpu.memref_slice %arg7[%add3A_13, %dma_start3A_92] : memref<16384x128xf32, #tpu.memory_space<hbm>> -> memref<128x128xf32, #tpu.memory_space<hbm>>
    %dma_start3A_94 = arith.constant 0 : i32
    %dma_start3A_95 = tpu.memref_slice %arg7[%add3A_13, %dma_start3A_94] : memref<16384x128xf32, #tpu.memory_space<hbm>> -> memref<128x128xf32, #tpu.memory_space<hbm>>
    tpu.enqueue_dma source(%arg15 : memref<128x128xf32, #tpu.memory_space<vmem>>) target(%dma_start3A_95 : memref<128x128xf32, #tpu.memory_space<hbm>>) target_semaphore(%arg29 : memref<!tpu.dma_semaphore, #tpu.memory_space<semaphore_mem>>)
    %dma_start3A_96 = arith.constant 128 : i32
    %dma_start3A_97 = tpu.memref_slice %arg11[%dma_start3A_96] : memref<512xi32, #tpu.memory_space<vmem>> -> memref<128xi32, #tpu.memory_space<vmem>>
    %dma_start3A_98 = arith.constant 0 : i32
    %dma_start3A_99 = arith.constant 0 : i32
    %dma_start3A_100 = tpu.memref_slice %arg37[%dma_start3A_98, %dma_start3A_99] : memref<1000x128xf32, #tpu.memory_space<vmem_shared>> -> memref<1000x128xf32, #tpu.memory_space<vmem_shared>>
    tpu.enqueue_indirect_dma source(%dma_start3A_100 : memref<1000x128xf32, #tpu.memory_space<vmem_shared>>) target(%arg19 : memref<128x128xf32, #tpu.memory_space<vmem>>) offsets(%dma_start3A_97 : memref<128xi32, #tpu.memory_space<vmem>>) semaphore(%arg26 : memref<!tpu.dma_semaphore, #tpu.memory_space<semaphore_mem>>)
    %dma_wait3A_101 = arith.constant 128 : i32
    %dma_wait3A_102 = tpu.memref_slice %arg12[%dma_wait3A_101] : memref<512xi32, #tpu.memory_space<vmem>> -> memref<128xi32, #tpu.memory_space<vmem>>
    %dma_wait3A_103 = arith.constant 0 : i32
    %dma_wait3A_104 = arith.constant 0 : i32
    %dma_wait3A_105 = tpu.memref_slice %arg5[%dma_wait3A_103, %dma_wait3A_104] : memref<100000x128xf32, #tpu.memory_space<hbm>> -> memref<100000x128xf32, #tpu.memory_space<hbm>>
    tpu.wait_indirect_dma semaphore(%arg23 : memref<!tpu.dma_semaphore, #tpu.memory_space<semaphore_mem>>) src(%dma_wait3A_105 : memref<100000x128xf32, #tpu.memory_space<hbm>>) dst(%arg16 : memref<128x128xf32, #tpu.memory_space<vmem>>)
    %dma_start3A_106 = arith.constant 0 : i32
    %dma_start3A_107 = tpu.memref_slice %arg9[%add3A_15, %dma_start3A_106] : memref<16384x128xf32, #tpu.memory_space<hbm>> -> memref<128x128xf32, #tpu.memory_space<hbm>>
    %dma_start3A_108 = arith.constant 0 : i32
    %dma_start3A_109 = tpu.memref_slice %arg9[%add3A_15, %dma_start3A_108] : memref<16384x128xf32, #tpu.memory_space<hbm>> -> memref<128x128xf32, #tpu.memory_space<hbm>>
    tpu.enqueue_dma source(%arg16 : memref<128x128xf32, #tpu.memory_space<vmem>>) target(%dma_start3A_109 : memref<128x128xf32, #tpu.memory_space<hbm>>) target_semaphore(%arg30 : memref<!tpu.dma_semaphore, #tpu.memory_space<semaphore_mem>>)
    %dma_wait3A_110 = arith.constant 0 : i32
    %dma_wait3A_111 = tpu.memref_slice %arg7[%add3A_9, %dma_wait3A_110] : memref<16384x128xf32, #tpu.memory_space<hbm>> -> memref<128x128xf32, #tpu.memory_space<hbm>>
    %dma_wait3A_112 = arith.constant 0 : i32
    %dma_wait3A_113 = tpu.memref_slice %arg7[%add3A_9, %dma_wait3A_112] : memref<16384x128xf32, #tpu.memory_space<hbm>> -> memref<128x128xf32, #tpu.memory_space<hbm>>
    tpu.wait_dma2 semaphore(%arg27 : memref<!tpu.dma_semaphore, #tpu.memory_space<semaphore_mem>>) src(%arg13 : memref<128x128xf32, #tpu.memory_space<vmem>>) dst(%dma_wait3A_113 : memref<128x128xf32, #tpu.memory_space<hbm>>)
    %dma_start3A_114 = arith.constant 256 : i32
    %dma_start3A_115 = tpu.memref_slice %arg12[%dma_start3A_114] : memref<512xi32, #tpu.memory_space<vmem>> -> memref<128xi32, #tpu.memory_space<vmem>>
    %dma_start3A_116 = arith.constant 0 : i32
    %dma_start3A_117 = arith.constant 0 : i32
    %dma_start3A_118 = tpu.memref_slice %arg5[%dma_start3A_116, %dma_start3A_117] : memref<100000x128xf32, #tpu.memory_space<hbm>> -> memref<100000x128xf32, #tpu.memory_space<hbm>>
    tpu.enqueue_indirect_dma source(%dma_start3A_118 : memref<100000x128xf32, #tpu.memory_space<hbm>>) target(%arg13 : memref<128x128xf32, #tpu.memory_space<vmem>>) offsets(%dma_start3A_115 : memref<128xi32, #tpu.memory_space<vmem>>) semaphore(%arg20 : memref<!tpu.dma_semaphore, #tpu.memory_space<semaphore_mem>>)
    %dma_wait3A_119 = arith.constant 0 : i32
    %dma_wait3A_120 = tpu.memref_slice %arg11[%dma_wait3A_119] : memref<512xi32, #tpu.memory_space<vmem>> -> memref<128xi32, #tpu.memory_space<vmem>>
    %dma_wait3A_121 = arith.constant 0 : i32
    %dma_wait3A_122 = arith.constant 0 : i32
    %dma_wait3A_123 = tpu.memref_slice %arg37[%dma_wait3A_121, %dma_wait3A_122] : memref<1000x128xf32, #tpu.memory_space<vmem_shared>> -> memref<1000x128xf32, #tpu.memory_space<vmem_shared>>
    tpu.wait_indirect_dma semaphore(%arg24 : memref<!tpu.dma_semaphore, #tpu.memory_space<semaphore_mem>>) src(%dma_wait3A_123 : memref<1000x128xf32, #tpu.memory_space<vmem_shared>>) dst(%arg17 : memref<128x128xf32, #tpu.memory_space<vmem>>)
    %dma_start3A_124 = arith.constant 0 : i32
    %dma_start3A_125 = tpu.memref_slice %arg8[%add3A_17, %dma_start3A_124] : memref<16384x128xf32, #tpu.memory_space<hbm>> -> memref<128x128xf32, #tpu.memory_space<hbm>>
    %dma_start3A_126 = arith.constant 0 : i32
    %dma_start3A_127 = tpu.memref_slice %arg8[%add3A_17, %dma_start3A_126] : memref<16384x128xf32, #tpu.memory_space<hbm>> -> memref<128x128xf32, #tpu.memory_space<hbm>>
    tpu.enqueue_dma source(%arg17 : memref<128x128xf32, #tpu.memory_space<vmem>>) target(%dma_start3A_127 : memref<128x128xf32, #tpu.memory_space<hbm>>) target_semaphore(%arg31 : memref<!tpu.dma_semaphore, #tpu.memory_space<semaphore_mem>>)
    %dma_wait3A_128 = arith.constant 0 : i32
    %dma_wait3A_129 = tpu.memref_slice %arg9[%add3A_11, %dma_wait3A_128] : memref<16384x128xf32, #tpu.memory_space<hbm>> -> memref<128x128xf32, #tpu.memory_space<hbm>>
    %dma_wait3A_130 = arith.constant 0 : i32
    %dma_wait3A_131 = tpu.memref_slice %arg9[%add3A_11, %dma_wait3A_130] : memref<16384x128xf32, #tpu.memory_space<hbm>> -> memref<128x128xf32, #tpu.memory_space<hbm>>
    tpu.wait_dma2 semaphore(%arg28 : memref<!tpu.dma_semaphore, #tpu.memory_space<semaphore_mem>>) src(%arg14 : memref<128x128xf32, #tpu.memory_space<vmem>>) dst(%dma_wait3A_131 : memref<128x128xf32, #tpu.memory_space<hbm>>)
    %dma_start3A_132 = arith.constant 256 : i32
    %dma_start3A_133 = tpu.memref_slice %arg11[%dma_start3A_132] : memref<512xi32, #tpu.memory_space<vmem>> -> memref<128xi32, #tpu.memory_space<vmem>>
    %dma_start3A_134 = arith.constant 0 : i32
    %dma_start3A_135 = arith.constant 0 : i32
    %dma_start3A_136 = tpu.memref_slice %arg37[%dma_start3A_134, %dma_start3A_135] : memref<1000x128xf32, #tpu.memory_space<vmem_shared>> -> memref<1000x128xf32, #tpu.memory_space<vmem_shared>>
    tpu.enqueue_indirect_dma source(%dma_start3A_136 : memref<1000x128xf32, #tpu.memory_space<vmem_shared>>) target(%arg14 : memref<128x128xf32, #tpu.memory_space<vmem>>) offsets(%dma_start3A_133 : memref<128xi32, #tpu.memory_space<vmem>>) semaphore(%arg21 : memref<!tpu.dma_semaphore, #tpu.memory_space<semaphore_mem>>)
    %dma_wait3A_137 = arith.constant 256 : i32
    %dma_wait3A_138 = tpu.memref_slice %arg10[%dma_wait3A_137] : memref<512xi32, #tpu.memory_space<vmem>> -> memref<128xi32, #tpu.memory_space<vmem>>
    %dma_wait3A_139 = arith.constant 0 : i32
    %dma_wait3A_140 = arith.constant 0 : i32
    %dma_wait3A_141 = tpu.memref_slice %arg5[%dma_wait3A_139, %dma_wait3A_140] : memref<100000x128xf32, #tpu.memory_space<hbm>> -> memref<100000x128xf32, #tpu.memory_space<hbm>>
    tpu.wait_indirect_dma semaphore(%arg25 : memref<!tpu.dma_semaphore, #tpu.memory_space<semaphore_mem>>) src(%dma_wait3A_141 : memref<100000x128xf32, #tpu.memory_space<hbm>>) dst(%arg18 : memref<128x128xf32, #tpu.memory_space<vmem>>)
    %dma_start3A_142 = arith.constant 0 : i32
    %dma_start3A_143 = tpu.memref_slice %arg7[%add3A_19, %dma_start3A_142] : memref<16384x128xf32, #tpu.memory_space<hbm>> -> memref<128x128xf32, #tpu.memory_space<hbm>>
    %dma_start3A_144 = arith.constant 0 : i32
    %dma_start3A_145 = tpu.memref_slice %arg7[%add3A_19, %dma_start3A_144] : memref<16384x128xf32, #tpu.memory_space<hbm>> -> memref<128x128xf32, #tpu.memory_space<hbm>>
    tpu.enqueue_dma source(%arg18 : memref<128x128xf32, #tpu.memory_space<vmem>>) target(%dma_start3A_145 : memref<128x128xf32, #tpu.memory_space<hbm>>) target_semaphore(%arg32 : memref<!tpu.dma_semaphore, #tpu.memory_space<semaphore_mem>>)
    %dma_wait3A_146 = arith.constant 0 : i32
    %dma_wait3A_147 = tpu.memref_slice %arg7[%add3A_13, %dma_wait3A_146] : memref<16384x128xf32, #tpu.memory_space<hbm>> -> memref<128x128xf32, #tpu.memory_space<hbm>>
    %dma_wait3A_148 = arith.constant 0 : i32
    %dma_wait3A_149 = tpu.memref_slice %arg7[%add3A_13, %dma_wait3A_148] : memref<16384x128xf32, #tpu.memory_space<hbm>> -> memref<128x128xf32, #tpu.memory_space<hbm>>
    tpu.wait_dma2 semaphore(%arg29 : memref<!tpu.dma_semaphore, #tpu.memory_space<semaphore_mem>>) src(%arg15 : memref<128x128xf32, #tpu.memory_space<vmem>>) dst(%dma_wait3A_149 : memref<128x128xf32, #tpu.memory_space<hbm>>)
    %dma_start3A_150 = arith.constant 384 : i32
    %dma_start3A_151 = tpu.memref_slice %arg10[%dma_start3A_150] : memref<512xi32, #tpu.memory_space<vmem>> -> memref<128xi32, #tpu.memory_space<vmem>>
    %dma_start3A_152 = arith.constant 0 : i32
    %dma_start3A_153 = arith.constant 0 : i32
    %dma_start3A_154 = tpu.memref_slice %arg5[%dma_start3A_152, %dma_start3A_153] : memref<100000x128xf32, #tpu.memory_space<hbm>> -> memref<100000x128xf32, #tpu.memory_space<hbm>>
    tpu.enqueue_indirect_dma source(%dma_start3A_154 : memref<100000x128xf32, #tpu.memory_space<hbm>>) target(%arg15 : memref<128x128xf32, #tpu.memory_space<vmem>>) offsets(%dma_start3A_151 : memref<128xi32, #tpu.memory_space<vmem>>) semaphore(%arg22 : memref<!tpu.dma_semaphore, #tpu.memory_space<semaphore_mem>>)
    %dma_wait3A_155 = arith.constant 128 : i32
    %dma_wait3A_156 = tpu.memref_slice %arg11[%dma_wait3A_155] : memref<512xi32, #tpu.memory_space<vmem>> -> memref<128xi32, #tpu.memory_space<vmem>>
    %dma_wait3A_157 = arith.constant 0 : i32
    %dma_wait3A_158 = arith.constant 0 : i32
    %dma_wait3A_159 = tpu.memref_slice %arg37[%dma_wait3A_157, %dma_wait3A_158] : memref<1000x128xf32, #tpu.memory_space<vmem_shared>> -> memref<1000x128xf32, #tpu.memory_space<vmem_shared>>
    tpu.wait_indirect_dma semaphore(%arg26 : memref<!tpu.dma_semaphore, #tpu.memory_space<semaphore_mem>>) src(%dma_wait3A_159 : memref<1000x128xf32, #tpu.memory_space<vmem_shared>>) dst(%arg19 : memref<128x128xf32, #tpu.memory_space<vmem>>)
    %dma_start3A_160 = arith.constant 0 : i32
    %dma_start3A_161 = tpu.memref_slice %arg8[%add3A_21, %dma_start3A_160] : memref<16384x128xf32, #tpu.memory_space<hbm>> -> memref<128x128xf32, #tpu.memory_space<hbm>>
    %dma_start3A_162 = arith.constant 0 : i32
    %dma_start3A_163 = tpu.memref_slice %arg8[%add3A_21, %dma_start3A_162] : memref<16384x128xf32, #tpu.memory_space<hbm>> -> memref<128x128xf32, #tpu.memory_space<hbm>>
    tpu.enqueue_dma source(%arg19 : memref<128x128xf32, #tpu.memory_space<vmem>>) target(%dma_start3A_163 : memref<128x128xf32, #tpu.memory_space<hbm>>) target_semaphore(%arg33 : memref<!tpu.dma_semaphore, #tpu.memory_space<semaphore_mem>>)
    %dma_wait3A_164 = arith.constant 0 : i32
    %dma_wait3A_165 = tpu.memref_slice %arg9[%add3A_15, %dma_wait3A_164] : memref<16384x128xf32, #tpu.memory_space<hbm>> -> memref<128x128xf32, #tpu.memory_space<hbm>>
    %dma_wait3A_166 = arith.constant 0 : i32
    %dma_wait3A_167 = tpu.memref_slice %arg9[%add3A_15, %dma_wait3A_166] : memref<16384x128xf32, #tpu.memory_space<hbm>> -> memref<128x128xf32, #tpu.memory_space<hbm>>
    tpu.wait_dma2 semaphore(%arg30 : memref<!tpu.dma_semaphore, #tpu.memory_space<semaphore_mem>>) src(%arg16 : memref<128x128xf32, #tpu.memory_space<vmem>>) dst(%dma_wait3A_167 : memref<128x128xf32, #tpu.memory_space<hbm>>)
    %dma_start3A_168 = arith.constant 384 : i32
    %dma_start3A_169 = tpu.memref_slice %arg11[%dma_start3A_168] : memref<512xi32, #tpu.memory_space<vmem>> -> memref<128xi32, #tpu.memory_space<vmem>>
    %dma_start3A_170 = arith.constant 0 : i32
    %dma_start3A_171 = arith.constant 0 : i32
    %dma_start3A_172 = tpu.memref_slice %arg37[%dma_start3A_170, %dma_start3A_171] : memref<1000x128xf32, #tpu.memory_space<vmem_shared>> -> memref<1000x128xf32, #tpu.memory_space<vmem_shared>>
    tpu.enqueue_indirect_dma source(%dma_start3A_172 : memref<1000x128xf32, #tpu.memory_space<vmem_shared>>) target(%arg16 : memref<128x128xf32, #tpu.memory_space<vmem>>) offsets(%dma_start3A_169 : memref<128xi32, #tpu.memory_space<vmem>>) semaphore(%arg23 : memref<!tpu.dma_semaphore, #tpu.memory_space<semaphore_mem>>)
    %dma_wait3A_173 = arith.constant 256 : i32
    %dma_wait3A_174 = tpu.memref_slice %arg12[%dma_wait3A_173] : memref<512xi32, #tpu.memory_space<vmem>> -> memref<128xi32, #tpu.memory_space<vmem>>
    %dma_wait3A_175 = arith.constant 0 : i32
    %dma_wait3A_176 = arith.constant 0 : i32
    %dma_wait3A_177 = tpu.memref_slice %arg5[%dma_wait3A_175, %dma_wait3A_176] : memref<100000x128xf32, #tpu.memory_space<hbm>> -> memref<100000x128xf32, #tpu.memory_space<hbm>>
    tpu.wait_indirect_dma semaphore(%arg20 : memref<!tpu.dma_semaphore, #tpu.memory_space<semaphore_mem>>) src(%dma_wait3A_177 : memref<100000x128xf32, #tpu.memory_space<hbm>>) dst(%arg13 : memref<128x128xf32, #tpu.memory_space<vmem>>)
    %dma_start3A_178 = arith.constant 0 : i32
    %dma_start3A_179 = tpu.memref_slice %arg9[%add3A_23, %dma_start3A_178] : memref<16384x128xf32, #tpu.memory_space<hbm>> -> memref<128x128xf32, #tpu.memory_space<hbm>>
    %dma_start3A_180 = arith.constant 0 : i32
    %dma_start3A_181 = tpu.memref_slice %arg9[%add3A_23, %dma_start3A_180] : memref<16384x128xf32, #tpu.memory_space<hbm>> -> memref<128x128xf32, #tpu.memory_space<hbm>>
    tpu.enqueue_dma source(%arg13 : memref<128x128xf32, #tpu.memory_space<vmem>>) target(%dma_start3A_181 : memref<128x128xf32, #tpu.memory_space<hbm>>) target_semaphore(%arg27 : memref<!tpu.dma_semaphore, #tpu.memory_space<semaphore_mem>>)
    %dma_wait3A_182 = arith.constant 0 : i32
    %dma_wait3A_183 = tpu.memref_slice %arg8[%add3A_17, %dma_wait3A_182] : memref<16384x128xf32, #tpu.memory_space<hbm>> -> memref<128x128xf32, #tpu.memory_space<hbm>>
    %dma_wait3A_184 = arith.constant 0 : i32
    %dma_wait3A_185 = tpu.memref_slice %arg8[%add3A_17, %dma_wait3A_184] : memref<16384x128xf32, #tpu.memory_space<hbm>> -> memref<128x128xf32, #tpu.memory_space<hbm>>
    tpu.wait_dma2 semaphore(%arg31 : memref<!tpu.dma_semaphore, #tpu.memory_space<semaphore_mem>>) src(%arg17 : memref<128x128xf32, #tpu.memory_space<vmem>>) dst(%dma_wait3A_185 : memref<128x128xf32, #tpu.memory_space<hbm>>)
    %dma_start3A_186 = arith.constant 384 : i32
    %dma_start3A_187 = tpu.memref_slice %arg12[%dma_start3A_186] : memref<512xi32, #tpu.memory_space<vmem>> -> memref<128xi32, #tpu.memory_space<vmem>>
    %dma_start3A_188 = arith.constant 0 : i32
    %dma_start3A_189 = arith.constant 0 : i32
    %dma_start3A_190 = tpu.memref_slice %arg5[%dma_start3A_188, %dma_start3A_189] : memref<100000x128xf32, #tpu.memory_space<hbm>> -> memref<100000x128xf32, #tpu.memory_space<hbm>>
    tpu.enqueue_indirect_dma source(%dma_start3A_190 : memref<100000x128xf32, #tpu.memory_space<hbm>>) target(%arg17 : memref<128x128xf32, #tpu.memory_space<vmem>>) offsets(%dma_start3A_187 : memref<128xi32, #tpu.memory_space<vmem>>) semaphore(%arg24 : memref<!tpu.dma_semaphore, #tpu.memory_space<semaphore_mem>>)
    %dma_wait3A_191 = arith.constant 256 : i32
    %dma_wait3A_192 = tpu.memref_slice %arg11[%dma_wait3A_191] : memref<512xi32, #tpu.memory_space<vmem>> -> memref<128xi32, #tpu.memory_space<vmem>>
    %dma_wait3A_193 = arith.constant 0 : i32
    %dma_wait3A_194 = arith.constant 0 : i32
    %dma_wait3A_195 = tpu.memref_slice %arg37[%dma_wait3A_193, %dma_wait3A_194] : memref<1000x128xf32, #tpu.memory_space<vmem_shared>> -> memref<1000x128xf32, #tpu.memory_space<vmem_shared>>
    tpu.wait_indirect_dma semaphore(%arg21 : memref<!tpu.dma_semaphore, #tpu.memory_space<semaphore_mem>>) src(%dma_wait3A_195 : memref<1000x128xf32, #tpu.memory_space<vmem_shared>>) dst(%arg14 : memref<128x128xf32, #tpu.memory_space<vmem>>)
    %dma_start3A_196 = arith.constant 0 : i32
    %dma_start3A_197 = tpu.memref_slice %arg8[%add3A_25, %dma_start3A_196] : memref<16384x128xf32, #tpu.memory_space<hbm>> -> memref<128x128xf32, #tpu.memory_space<hbm>>
    %dma_start3A_198 = arith.constant 0 : i32
    %dma_start3A_199 = tpu.memref_slice %arg8[%add3A_25, %dma_start3A_198] : memref<16384x128xf32, #tpu.memory_space<hbm>> -> memref<128x128xf32, #tpu.memory_space<hbm>>
    tpu.enqueue_dma source(%arg14 : memref<128x128xf32, #tpu.memory_space<vmem>>) target(%dma_start3A_199 : memref<128x128xf32, #tpu.memory_space<hbm>>) target_semaphore(%arg28 : memref<!tpu.dma_semaphore, #tpu.memory_space<semaphore_mem>>)
    %dma_wait3A_200 = arith.constant 384 : i32
    %dma_wait3A_201 = tpu.memref_slice %arg10[%dma_wait3A_200] : memref<512xi32, #tpu.memory_space<vmem>> -> memref<128xi32, #tpu.memory_space<vmem>>
    %dma_wait3A_202 = arith.constant 0 : i32
    %dma_wait3A_203 = arith.constant 0 : i32
    %dma_wait3A_204 = tpu.memref_slice %arg5[%dma_wait3A_202, %dma_wait3A_203] : memref<100000x128xf32, #tpu.memory_space<hbm>> -> memref<100000x128xf32, #tpu.memory_space<hbm>>
    tpu.wait_indirect_dma semaphore(%arg22 : memref<!tpu.dma_semaphore, #tpu.memory_space<semaphore_mem>>) src(%dma_wait3A_204 : memref<100000x128xf32, #tpu.memory_space<hbm>>) dst(%arg15 : memref<128x128xf32, #tpu.memory_space<vmem>>)
    %dma_start3A_205 = arith.constant 0 : i32
    %dma_start3A_206 = tpu.memref_slice %arg7[%add3A_27, %dma_start3A_205] : memref<16384x128xf32, #tpu.memory_space<hbm>> -> memref<128x128xf32, #tpu.memory_space<hbm>>
    %dma_start3A_207 = arith.constant 0 : i32
    %dma_start3A_208 = tpu.memref_slice %arg7[%add3A_27, %dma_start3A_207] : memref<16384x128xf32, #tpu.memory_space<hbm>> -> memref<128x128xf32, #tpu.memory_space<hbm>>
    tpu.enqueue_dma source(%arg15 : memref<128x128xf32, #tpu.memory_space<vmem>>) target(%dma_start3A_208 : memref<128x128xf32, #tpu.memory_space<hbm>>) target_semaphore(%arg29 : memref<!tpu.dma_semaphore, #tpu.memory_space<semaphore_mem>>)
    %dma_wait3A_209 = arith.constant 384 : i32
    %dma_wait3A_210 = tpu.memref_slice %arg11[%dma_wait3A_209] : memref<512xi32, #tpu.memory_space<vmem>> -> memref<128xi32, #tpu.memory_space<vmem>>
    %dma_wait3A_211 = arith.constant 0 : i32
    %dma_wait3A_212 = arith.constant 0 : i32
    %dma_wait3A_213 = tpu.memref_slice %arg37[%dma_wait3A_211, %dma_wait3A_212] : memref<1000x128xf32, #tpu.memory_space<vmem_shared>> -> memref<1000x128xf32, #tpu.memory_space<vmem_shared>>
    tpu.wait_indirect_dma semaphore(%arg23 : memref<!tpu.dma_semaphore, #tpu.memory_space<semaphore_mem>>) src(%dma_wait3A_213 : memref<1000x128xf32, #tpu.memory_space<vmem_shared>>) dst(%arg16 : memref<128x128xf32, #tpu.memory_space<vmem>>)
    %dma_start3A_214 = arith.constant 0 : i32
    %dma_start3A_215 = tpu.memref_slice %arg8[%add3A_29, %dma_start3A_214] : memref<16384x128xf32, #tpu.memory_space<hbm>> -> memref<128x128xf32, #tpu.memory_space<hbm>>
    %dma_start3A_216 = arith.constant 0 : i32
    %dma_start3A_217 = tpu.memref_slice %arg8[%add3A_29, %dma_start3A_216] : memref<16384x128xf32, #tpu.memory_space<hbm>> -> memref<128x128xf32, #tpu.memory_space<hbm>>
    tpu.enqueue_dma source(%arg16 : memref<128x128xf32, #tpu.memory_space<vmem>>) target(%dma_start3A_217 : memref<128x128xf32, #tpu.memory_space<hbm>>) target_semaphore(%arg30 : memref<!tpu.dma_semaphore, #tpu.memory_space<semaphore_mem>>)
    %dma_wait3A_218 = arith.constant 384 : i32
    %dma_wait3A_219 = tpu.memref_slice %arg12[%dma_wait3A_218] : memref<512xi32, #tpu.memory_space<vmem>> -> memref<128xi32, #tpu.memory_space<vmem>>
    %dma_wait3A_220 = arith.constant 0 : i32
    %dma_wait3A_221 = arith.constant 0 : i32
    %dma_wait3A_222 = tpu.memref_slice %arg5[%dma_wait3A_220, %dma_wait3A_221] : memref<100000x128xf32, #tpu.memory_space<hbm>> -> memref<100000x128xf32, #tpu.memory_space<hbm>>
    tpu.wait_indirect_dma semaphore(%arg24 : memref<!tpu.dma_semaphore, #tpu.memory_space<semaphore_mem>>) src(%dma_wait3A_222 : memref<100000x128xf32, #tpu.memory_space<hbm>>) dst(%arg17 : memref<128x128xf32, #tpu.memory_space<vmem>>)
    %dma_start3A_223 = arith.constant 0 : i32
    %dma_start3A_224 = tpu.memref_slice %arg9[%add3A_31, %dma_start3A_223] : memref<16384x128xf32, #tpu.memory_space<hbm>> -> memref<128x128xf32, #tpu.memory_space<hbm>>
    %dma_start3A_225 = arith.constant 0 : i32
    %dma_start3A_226 = tpu.memref_slice %arg9[%add3A_31, %dma_start3A_225] : memref<16384x128xf32, #tpu.memory_space<hbm>> -> memref<128x128xf32, #tpu.memory_space<hbm>>
    tpu.enqueue_dma source(%arg17 : memref<128x128xf32, #tpu.memory_space<vmem>>) target(%dma_start3A_226 : memref<128x128xf32, #tpu.memory_space<hbm>>) target_semaphore(%arg31 : memref<!tpu.dma_semaphore, #tpu.memory_space<semaphore_mem>>)
    %dma_wait3A_227 = arith.constant 0 : i32
    %dma_wait3A_228 = tpu.memref_slice %arg7[%add3A_19, %dma_wait3A_227] : memref<16384x128xf32, #tpu.memory_space<hbm>> -> memref<128x128xf32, #tpu.memory_space<hbm>>
    %dma_wait3A_229 = arith.constant 0 : i32
    %dma_wait3A_230 = tpu.memref_slice %arg7[%add3A_19, %dma_wait3A_229] : memref<16384x128xf32, #tpu.memory_space<hbm>> -> memref<128x128xf32, #tpu.memory_space<hbm>>
    tpu.wait_dma2 semaphore(%arg32 : memref<!tpu.dma_semaphore, #tpu.memory_space<semaphore_mem>>) src(%arg18 : memref<128x128xf32, #tpu.memory_space<vmem>>) dst(%dma_wait3A_230 : memref<128x128xf32, #tpu.memory_space<hbm>>)
    %dma_wait3A_231 = arith.constant 0 : i32
    %dma_wait3A_232 = tpu.memref_slice %arg8[%add3A_21, %dma_wait3A_231] : memref<16384x128xf32, #tpu.memory_space<hbm>> -> memref<128x128xf32, #tpu.memory_space<hbm>>
    %dma_wait3A_233 = arith.constant 0 : i32
    %dma_wait3A_234 = tpu.memref_slice %arg8[%add3A_21, %dma_wait3A_233] : memref<16384x128xf32, #tpu.memory_space<hbm>> -> memref<128x128xf32, #tpu.memory_space<hbm>>
    tpu.wait_dma2 semaphore(%arg33 : memref<!tpu.dma_semaphore, #tpu.memory_space<semaphore_mem>>) src(%arg19 : memref<128x128xf32, #tpu.memory_space<vmem>>) dst(%dma_wait3A_234 : memref<128x128xf32, #tpu.memory_space<hbm>>)
    %dma_wait3A_235 = arith.constant 0 : i32
    %dma_wait3A_236 = tpu.memref_slice %arg9[%add3A_23, %dma_wait3A_235] : memref<16384x128xf32, #tpu.memory_space<hbm>> -> memref<128x128xf32, #tpu.memory_space<hbm>>
    %dma_wait3A_237 = arith.constant 0 : i32
    %dma_wait3A_238 = tpu.memref_slice %arg9[%add3A_23, %dma_wait3A_237] : memref<16384x128xf32, #tpu.memory_space<hbm>> -> memref<128x128xf32, #tpu.memory_space<hbm>>
    tpu.wait_dma2 semaphore(%arg27 : memref<!tpu.dma_semaphore, #tpu.memory_space<semaphore_mem>>) src(%arg13 : memref<128x128xf32, #tpu.memory_space<vmem>>) dst(%dma_wait3A_238 : memref<128x128xf32, #tpu.memory_space<hbm>>)
    %dma_wait3A_239 = arith.constant 0 : i32
    %dma_wait3A_240 = tpu.memref_slice %arg8[%add3A_25, %dma_wait3A_239] : memref<16384x128xf32, #tpu.memory_space<hbm>> -> memref<128x128xf32, #tpu.memory_space<hbm>>
    %dma_wait3A_241 = arith.constant 0 : i32
    %dma_wait3A_242 = tpu.memref_slice %arg8[%add3A_25, %dma_wait3A_241] : memref<16384x128xf32, #tpu.memory_space<hbm>> -> memref<128x128xf32, #tpu.memory_space<hbm>>
    tpu.wait_dma2 semaphore(%arg28 : memref<!tpu.dma_semaphore, #tpu.memory_space<semaphore_mem>>) src(%arg14 : memref<128x128xf32, #tpu.memory_space<vmem>>) dst(%dma_wait3A_242 : memref<128x128xf32, #tpu.memory_space<hbm>>)
    %dma_wait3A_243 = arith.constant 0 : i32
    %dma_wait3A_244 = tpu.memref_slice %arg7[%add3A_27, %dma_wait3A_243] : memref<16384x128xf32, #tpu.memory_space<hbm>> -> memref<128x128xf32, #tpu.memory_space<hbm>>
    %dma_wait3A_245 = arith.constant 0 : i32
    %dma_wait3A_246 = tpu.memref_slice %arg7[%add3A_27, %dma_wait3A_245] : memref<16384x128xf32, #tpu.memory_space<hbm>> -> memref<128x128xf32, #tpu.memory_space<hbm>>
    tpu.wait_dma2 semaphore(%arg29 : memref<!tpu.dma_semaphore, #tpu.memory_space<semaphore_mem>>) src(%arg15 : memref<128x128xf32, #tpu.memory_space<vmem>>) dst(%dma_wait3A_246 : memref<128x128xf32, #tpu.memory_space<hbm>>)
    %dma_wait3A_247 = arith.constant 0 : i32
    %dma_wait3A_248 = tpu.memref_slice %arg8[%add3A_29, %dma_wait3A_247] : memref<16384x128xf32, #tpu.memory_space<hbm>> -> memref<128x128xf32, #tpu.memory_space<hbm>>
    %dma_wait3A_249 = arith.constant 0 : i32
    %dma_wait3A_250 = tpu.memref_slice %arg8[%add3A_29, %dma_wait3A_249] : memref<16384x128xf32, #tpu.memory_space<hbm>> -> memref<128x128xf32, #tpu.memory_space<hbm>>
    tpu.wait_dma2 semaphore(%arg30 : memref<!tpu.dma_semaphore, #tpu.memory_space<semaphore_mem>>) src(%arg16 : memref<128x128xf32, #tpu.memory_space<vmem>>) dst(%dma_wait3A_250 : memref<128x128xf32, #tpu.memory_space<hbm>>)
    %dma_wait3A_251 = arith.constant 0 : i32
    %dma_wait3A_252 = tpu.memref_slice %arg9[%add3A_31, %dma_wait3A_251] : memref<16384x128xf32, #tpu.memory_space<hbm>> -> memref<128x128xf32, #tpu.memory_space<hbm>>
    %dma_wait3A_253 = arith.constant 0 : i32
    %dma_wait3A_254 = tpu.memref_slice %arg9[%add3A_31, %dma_wait3A_253] : memref<16384x128xf32, #tpu.memory_space<hbm>> -> memref<128x128xf32, #tpu.memory_space<hbm>>
    tpu.wait_dma2 semaphore(%arg31 : memref<!tpu.dma_semaphore, #tpu.memory_space<semaphore_mem>>) src(%arg17 : memref<128x128xf32, #tpu.memory_space<vmem>>) dst(%dma_wait3A_254 : memref<128x128xf32, #tpu.memory_space<hbm>>)
    return
  }
}

</mosaic_0001>

<sc_bundles>
// kernel: kernel.3.cloned.1.call-start
scs
__scs_entry_jumppad:
0x0: {  	(pc) =	sbr.rel $0x88, $3  }
0x1: {  	(tag) =	ssettag $0x0;
	lr =	simm.s32 $0x1  }
0x2: {  	[smem:$0x3F9C] =	sst lr;
	_ =	strace $0xD0000000  }
0x3: {  	_ = 	snop  }
0x4: {  	_ = 	snop  }
0x5: {  	_ = 	snop  }
0x6: {  	_ = 	snop  }
0x7: {  	_ = 	snop  }
__scs_overlays_trampoline_lowered:
0x8: {  	[smem:$0x3FAB] =	sst s0  }
0x9: {  	[smem:$0x3FAC] =	sst s1  }
0xa: {  	[smem:$0x3FAD] =	sst s2  }
0xb: {  	[smem:$0x3FAE] =	sst s3  }
0xc: {  	[smem:$0x3FAF] =	sst s4  }
0xd: {  	[smem:$0x3FB0] =	sst s5  }
0xe: {  	[smem:$0x3FB1] =	sst s6  }
0xf: {  	[smem:$0x3FB2] =	sst s7  }
0x10: {  	[smem:$0x3FB3] =	sst s8  }
0x11: {  	[smem:$0x3FB4] =	sst s9;
	s0 =	simm.s32 @!p0 $0x0  }
0x12: {  	s1 =	sld [smem:$0x3F9A];
	s0 =	simm.s32 @p0 $0x1  }
0x13: {  	[smem:$0x3FB5] =	sst s0;
	s0 =	simm.s32 @!p1 $0x0  }
0x14: {  	s2 =	sld [smem:$0x3F99];
	s0 =	simm.s32 @p1 $0x1  }
0x15: {  	[smem:$0x3FB6] =	sst s0;
	s0 =	simm.s32 @!p2 $0x0  }
0x16: {  	s3 =	sld [smem:$0x3FDB];
	s0 =	simm.s32 @p2 $0x1  }
0x17: {  	s4 =	simm.s32 $0x1BF5;
	[smem:$0x3FB8] =	sst s0  }
0x18: {  	s0 =	sld [smem:$0x3F9B];
	_ =	swait.ge [sflag:s4], $0x0  }
0x19: {  	s7 =	sld [smem:$0x3F9C]  }
0x1a: {  	s8 =	sadd.s32 $0xFFFFE003, lr  }
0x1b: {  	s9 =	sadd.s32 $0xFFFFFEF7, lr;
	s5 =	simm.s32 $0xFFFFFFFF;
	p2 =	slt.u32 s8, $0xFFFFF086  }
0x1c: {  	p1 =	slt.u32 s9, $0xF7A;
	s5 =	simm.s32 @!p2 $0x0  }
0x1d: {  	s5 =	simm.s32 @p1 $0x1;
	p0 =	seq.s32 s7, s2  }
0x1e: {  	s7 =	smul.u32 @!p0 $0xF7A, s2;
	p2 =	seq.s32 @!p0 s5, $0x0  }
0x1f: {  	s9 =	smul.u32 $0xF7A, s1;
	s8 =	simm.s32 @!p0 $0x1BF5;
	p2 =	por !p2, p0  }
0x20: {  	[sflag:s8] =	ssyncset.s32 @!p0 $0xFFFFF086;
	s6 =	sadd.s32 @!p0 s3, s7;
	s7 =	simm.s32 @!p0 $0x108  }
0x21: {  	s3 =	sadd.s32 s3, s9;
	s6 =	sadd.s32 @!p0 $0x88, s6;
	s7 =	simm.s32 @p2 $0x1082  }
0x22: {  	[simem:s7], [sflag:s8] =	dma.local @!p0 [hbm:s6], $0xF7A  }
0x23: {  	s9 =	sor.u32 $0xD0000000, s2;
	s6 =	simm.s32 $0x108;
	_ =	swait.ge @!p0 [sflag:s8], $0x0  }
0x24: {  	s3 =	sadd.s32 $0x88, s3;
	s6 =	simm.s32 @!p1 $0x1082;
	[sflag:s4] =	ssyncset.s32 $0xFFFFF086  }
0x25: {  	[simem:s6], [sflag:s4] =	dma.local [hbm:s3], $0xF7A  }
0x26: {  	[smem:$0x3F9C] =	sst s1;
	(tag) =	ssettag s2;
	_ =	strace s9  }
0x27: {  	s1 =	sld [smem:$0x3FAC]  }
0x28: {  	s2 =	sld [smem:$0x3FAD]  }
0x29: {  	s4 =	sld [smem:$0x3FAF]  }
0x2a: {  	p0 =	seq.s32 s5, $0x0;
	s5 =	sld [smem:$0x3FB0]  }
0x2b: {  	s6 =	sld [smem:$0x3FB1]  }
0x2c: {  	s7 =	sld [smem:$0x3FB2]  }
0x2d: {  	s3 =	simm.s32 $0x108;
	s8 =	sld [smem:$0x3FB3]  }
0x2e: {  	s3 =	simm.s32 @!p0 $0x1082;
	s9 =	sld [smem:$0x3FB4]  }
0x2f: {  	lr =	sadd.s32 s0, s3;
	s0 =	sld [smem:$0x3FAB]  }
0x30: {  	s3 =	sld [smem:$0x3FAE]  }
0x31: {  	[smem:$0x3FB7] =	sst s10  }
0x32: {  	s10 =	sld [smem:$0x3FB5];
	_ =	sdelay $0x3  }
0x33: {  	p0 =	seq.s32 s10, $0x1;
	s10 =	sld [smem:$0x3FB7];
	_ =	sdelay $0x3  }
0x34: {  	[smem:$0x3FB7] =	sst s10  }
0x35: {  	s10 =	sld [smem:$0x3FB6];
	_ =	sdelay $0x3  }
0x36: {  	p1 =	seq.s32 s10, $0x1;
	s10 =	sld [smem:$0x3FB7];
	_ =	sdelay $0x3  }
0x37: {  	[smem:$0x3FB7] =	sst s10  }
0x38: {  	s10 =	sld [smem:$0x3FB8]  }
0x39: {  	_ = 	snop;
	(pc) =	sbr.ind lr, $3  }
0x3a: {  	_ = 	snop  }
0x3b: {  	_ = 	snop  }
0x3c: {  	p2 =	seq.s32 s10, $0x1;
	s10 =	sld [smem:$0x3FB7]  }
0x3d: {  	_ =	shalt  }
0x3e: {  	_ =	shalt  }
0x3f: {  	_ =	shalt  }
0x40: {  	_ =	shalt  }
0x41: {  	_ =	shalt  }
0x42: {  	_ =	shalt  }
0x43: {  	_ =	shalt  }
0x44: {  	_ =	shalt  }
0x45: {  	_ =	shalt  }
0x46: {  	_ =	shalt  }
0x47: {  	_ =	shalt  }
0x48: {  	_ =	shalt  }
0x49: {  	_ =	shalt  }
0x4a: {  	_ =	shalt  }
0x4b: {  	_ =	shalt  }
0x4c: {  	_ =	shalt  }
0x4d: {  	_ =	shalt  }
0x4e: {  	_ =	shalt  }
0x4f: {  	_ =	shalt  }
0x50: {  	_ =	shalt  }
0x51: {  	_ =	shalt  }
0x52: {  	_ =	shalt  }
0x53: {  	_ =	shalt  }
0x54: {  	_ =	shalt  }
0x55: {  	_ =	shalt  }
0x56: {  	_ =	shalt  }
0x57: {  	_ =	shalt  }
0x58: {  	_ =	shalt  }
0x59: {  	_ =	shalt  }
0x5a: {  	_ =	shalt  }
0x5b: {  	_ =	shalt  }
0x5c: {  	_ =	shalt  }
0x5d: {  	_ =	shalt  }
0x5e: {  	_ =	shalt  }
0x5f: {  	_ =	shalt  }
0x60: {  	_ =	shalt  }
0x61: {  	_ =	shalt  }
0x62: {  	_ =	shalt  }
0x63: {  	_ =	shalt  }
0x64: {  	_ =	shalt  }
0x65: {  	_ =	shalt  }
0x66: {  	_ =	shalt  }
0x67: {  	_ =	shalt  }
0x68: {  	_ =	shalt  }
0x69: {  	_ =	shalt  }
0x6a: {  	_ =	shalt  }
0x6b: {  	_ =	shalt  }
0x6c: {  	_ =	shalt  }
0x6d: {  	_ =	shalt  }
0x6e: {  	_ =	shalt  }
0x6f: {  	_ =	shalt  }
0x70: {  	_ =	shalt  }
0x71: {  	_ =	shalt  }
0x72: {  	_ =	shalt  }
0x73: {  	_ =	shalt  }
0x74: {  	_ =	shalt  }
0x75: {  	_ =	shalt  }
0x76: {  	_ =	shalt  }
0x77: {  	_ =	shalt  }
0x78: {  	_ =	shalt  }
0x79: {  	_ =	shalt  }
0x7a: {  	_ =	shalt  }
0x7b: {  	_ =	shalt  }
0x7c: {  	_ =	shalt  }
0x7d: {  	_ =	shalt  }
0x7e: {  	_ =	shalt  }
0x7f: {  	_ =	shalt  }
0x80: {  	_ =	shalt  }
0x81: {  	_ =	shalt  }
0x82: {  	_ =	shalt  }
0x83: {  	_ =	shalt  }
0x84: {  	_ =	shalt  }
0x85: {  	_ =	shalt  }
0x86: {  	_ =	shalt  }
0x87: {  	_ =	shalt  }
.Lfunc_end0:
.L_simem_size_0:
called_computation_lowered:
.L_overlay_start_0:
0x88: {  	s2 =	sld [smem:$0x3FD9]  }
0x89: {  	s3 =	sld [smem:$0x3FFE];
	_ =	sdelay $0x1  }
0x8a: {  	s1 =	srdreg.scid  }
0x8b: {  	s0 =	sand.u32 $0x1, s1  }
0x8c: {  	s15 =	sshll.u32 s0, $0xA;
	s2 =	sadd.s32 s3, s2  }
0x8d: {  	s2 =	sadd.s32 s2, s15  }
0x8e: {  	[smem:$0x3FC3] =	sst s2  }
0x8f: {  	_ = 	snop  }
0x90: {  	s2 =	sld [smem:$0x3FC9]  }
0x91: {  	s16 =	sld [smem:$0x3FC8]  }
0x92: {  	s4 =	sld [smem:$0x3FD0]  }
0x93: {  	s5 =	sld [smem:$0x3FC7]  }
0x94: {  	s6 =	sld [smem:$0x3FC6]  }
0x95: {  	s8 =	simm.s32 $0xA;
	s9 =	simm.s32 $0x10;
	s7 =	sld [smem:$0x3FC5]  }
0x96: {  	[smem:s9], [sflag:s8] =	dma.local [hbm:s4], $0x1  }
0x97: {  	_ =	swait.eq [sflag:s8], $0x1  }
0x98: {  	s17 =	sld [smem:$0x10];
	[sflag:s8] =	ssyncset.done $0x0  }
0x99: {  	s18 =	sld [smem:$0x11];
	[sflag:s8] =	ssyncadd.s32 $0xFFFFFFFF  }
0x9a: {  	s19 =	sld [smem:$0x12];
	(tm) =	ssettm $0x1  }
0x9b: {  	s10 =	sld [smem:$0x3FFB];
	_ =	sdelay $0x3  }
0x9c: {  	_ =	strace s10  }
0x9d: {  	s10 =	sld [smem:$0x3FFC];
	_ =	sdelay $0x3  }
0x9e: {  	_ =	strace s10  }
0x9f: {  	s10 =	sld [smem:$0x3FFD];
	_ =	sdelay $0x3  }
0xa0: {  	_ =	strace s10  }
0xa1: {  	_ =	strace $0x8FFFFFFF  }
0xa2: {  	s20 =	sld [smem:$0x3FDB];
	_ =	sdelay $0x1  }
0xa3: {  	s11 =	simm.s32 $_scs_section_size  }
0xa4: {  	s12 =	simm.s32 $_size__tile_overlayer_lowered;
	s13 =	simm.s32 $_tile_overlayer_lowered  }
0xa5: {  	s23 =	simm.s32 $0x1BFF;
	s22 =	sshll.u32 s13, $0x1;
	s10 =	sadd.s32 s11, s20  }
0xa6: {  	s14 =	simm.s32 $0x0;
	s21 =	sshll.u32 s12, $0x1;
	s12 =	sadd.s32 s22, s10  }
0xa7: {  	[timem:s14], [sflag:s23] =	dma.local [hbm:s12], s21  }
0xa8: {  	_ =	swait.ge [sflag:s23], s21  }
0xa9: {  	s11 =	ssub.s32 $0x0, s21;
	[sflag:s23] =	ssyncset.done $0x0  }
0xaa: {  	[sflag:s23] =	ssyncadd.s32 s11;
	_ =	sdelay $0x1  }
0xab: {  	s24 =	simm.s32 $0x1B8B  }
0xac: {  	_ =	swait.ge [sflag:s24], $0x1  }
0xad: {  	[sflag:s24] =	ssyncset.done $0x0  }
0xae: {  	s25 =	simm.s32 $0x1B8E;
	[sflag:s24] =	ssyncadd.s32 $0xFFFFFFFF  }
0xaf: {  	s26 =	simm.s32 $execute0_lowered;
	[smem:$0x3FD2] =	sst s25  }
0xb0: {  	s11 =	sshll.u32 s26, $0x1;
	_ =	strace $0x80000046;
	[dreg:$0x1] =	wrdreg $0xFFFFFFFF  }
0xb1: {  	s28 =	simm.s32 $_size_execute0_lowered;
	s10 =	sadd.s32 s10, s11;
	[dreg:$0x0] =	wrdreg $0x0  }
0xb2: {  	s11 =	sshll.u32 s28, $0x1;
	[dreg:$0x2] =	wrdreg s10  }
0xb3: {  	[dreg:$0x3] =	wrdreg s11  }
0xb4: {  	[dreg:$0x4] =	wrdreg $0xC0  }
0xb5: {  	_ =	task [dreg:s14], $0x5FFFF  }
0xb6: {  	[dreg:$0x1] =	wrdreg $0xFFFFFFFF  }
0xb7: {  	[dreg:$0x0] =	wrdreg $0x60  }
0xb8: {  	[dreg:$0x2] =	wrdreg s2  }
0xb9: {  	[dreg:$0x3] =	wrdreg s16  }
0xba: {  	[dreg:$0x4] =	wrdreg s5  }
0xbb: {  	[dreg:$0x5] =	wrdreg s6  }
0xbc: {  	[dreg:$0x6] =	wrdreg s7  }
0xbd: {  	[dreg:$0x7] =	wrdreg s17  }
0xbe: {  	[dreg:$0x8] =	wrdreg s18  }
0xbf: {  	[dreg:$0x9] =	wrdreg s19  }
0xc0: {  	[dreg:$0xa] =	wrdreg $0x1C6000  }
0xc1: {  	[dreg:$0xb] =	wrdreg $0x9  }
0xc2: {  	_ =	task.clear_ibuf [dreg:s14], $0xCFFFF;
	_ =	strace $0x90000046  }
0xc3: {  	s29 =	simm.s32 $0x9;
	_ =	strace $0x80000048  }
0xc4: {  	_ =	swait.ge [sflag:s29], $0x1  }
0xc5: {  	[sflag:s29] =	ssyncadd.s32 $0xFFFFFFFF  }
0xc6: {  	_ =	strace $0x90000048  }
0xc7: {  	_ =	sfence  }
0xc8: {  	s30 =	sld [smem:$0x0];
	_ =	sdelay $0x2  }
0xc9: {  	s31 =	sshll.u32 s1, $0xD;
	s1 =	sshrl.u32 s1, $0x2  }
0xca: {  	s3 =	sand.u32 $0x4000, s31;
	s1 =	sadd.s32 s1, s30  }
0xcb: {  	s0 =	sor.u32 s3, s0;
	s1 =	sshll.u32 s1, $0x11  }
0xcc: {  	s0 =	sor.u32 s1, s0  }
0xcd: {  	s0 =	sadd.s32 $0x8F2B, s0  }
0xce: {  	[sflag:s0] =	ssyncadd.remote.s32 $0x1  }
0xcf: {  	_ =	sfence.sel $0xFFFF  }
0xd0: {  	[dreg:$0x0] =	wrdreg $0xFFFFFFFF;
	(pc) =	sbr.abs _section_cstart, $3  }
0xd1: {  	[dreg:$0x1] =	wrdreg $0xFFFFFFFF  }
0xd2: {  	_ =	task.clear_ibuf [dreg:s14], $0x2FFFF;
	_ =	strace $0x9FFFFFFF  }
0xd3: {  	(tm) =	ssettm $0x7FFFFFFF  }
tec
execute0_lowered:
.L_overlay_start_1:
0x0: {  	(tag) =	ssettag $0x1  }
0x1: {  	s0 =	rddreg [dreg:$0x0]  }
0x2: {  	s4 =	rddreg [dreg:$0x1]  }
0x3: {  	s5 =	rddreg [dreg:$0x2]  }
0x4: {  	s2 =	rddreg [dreg:$0x3]  }
0x5: {  	s1 =	rddreg [dreg:$0x4]  }
0x6: {  	s6 =	rddreg [dreg:$0x5]  }
0x7: {  	s7 =	rddreg [dreg:$0x6]  }
0x8: {  	s8 =	rddreg [dreg:$0x7]  }
0x9: {  	s12 =	srdreg.scid;
	s3 =	rddreg [dreg:$0x8]  }
0xa: {  	s9 =	stileid.u32;
	s28 =	rddreg [dreg:$0x9];
	s31 =	simm.s32 $0xF  }
0xb: {  	s30 =	simm.s32 $0x10;
	s29 =	simm.s32 $0x11;
	p1 =	por $0x0, $0x0  }
0xc: {  	[dreg:$0xa] =	wrdreg s1;
	s10 =	sand.u32 $0x1, s12;
	s11 =	sshll.u32 s9, $0xA  }
0xd: {  	s1 =	simm.s32 $0x0;
	p0 =	sne.s32 s9, $0x0;
	s12 =	sshll.u32 s10, $0x9  }
0xe: {  	s9 =	simm.s32 $0x4600;
	[smem:$0x7FF] =	sst s1;
	s11 =	sor.u32 s12, s11  }
0xf: {  	s26 =	ssub.s32 $0x2, s10;
	_ =	strace $0x80000047;
	s12 =	sshrl.u32 s11, $0x3  }
0x10: {  	s10 =	sshrl.u32 s26, $0x1;
	s15 =	sshll.u32 s11, $0x4;
	s0 =	sadd.s32 s0, s12  }
0x11: {  	s13 =	sadd.s32 s4, s12;
	s14 =	sadd.s32 s5, s12;
	[dreg:$0xb] =	wrdreg s0  }
0x12: {  	s16 =	sadd.s32 s6, s15;
	s17 =	sadd.s32 s8, s15;
	[dreg:$0xc] =	wrdreg s13  }
0x13: {  	s18 =	sor.u32 $0x800, s15;
	s21 =	sadd.s32 s7, s15;
	[dreg:$0xd] =	wrdreg s14  }
0x14: {  	s11 =	sor.u32 $0x1000, s15;
	s4 =	sor.u32 $0x1800, s15;
	[dreg:$0xe] =	wrdreg s16  }
0x15: {  	s5 =	ssub.s32 s26, s10;
	s15 =	simm.s32 $0x480;
	[dreg:$0xf] =	wrdreg s17  }
0x16: {  	s26 =	simm.s32 $0x580;
	s10 =	simm.s32 $0xC;
	[dreg:$0x12] =	wrdreg s21  }
0x17: {  	s19 =	sadd.s32 s6, s18;
	s20 =	sadd.s32 s8, s18;
	[dreg:$0x1a] =	wrdreg s15  }
0x18: {  	s22 =	sadd.s32 s6, s11;
	s23 =	sadd.s32 s7, s18;
	[smem:$0x7FB] =	sst s26  }
0x19: {  	s24 =	sadd.s32 s8, s11;
	s25 =	sadd.s32 s7, s11;
	[dreg:$0x10] =	wrdreg s19  }
0x1a: {  	s6 =	sadd.s32 s6, s4;
	s11 =	sadd.s32 s7, s4;
	[dreg:$0x11] =	wrdreg s20  }
0x1b: {  	s12 =	sadd.s32 s8, s4;
	s13 =	smax.u32 s5, $0x1;
	[dreg:$0x13] =	wrdreg s22  }
0x1c: {  	s0 =	simm.s32 $0x200;
	s17 =	simm.s32 $0x600;
	[dreg:$0x14] =	wrdreg s23  }
0x1d: {  	s8 =	simm.s32 $0x8600;
	s4 =	simm.s32 $0x10600;
	[dreg:$0x15] =	wrdreg s24  }
0x1e: {  	s16 =	simm.s32 $0x100;
	s18 =	simm.s32 $0x2;
	[dreg:$0x16] =	wrdreg s25  }
0x1f: {  	s14 =	simm.s32 $0x4;
	s21 =	simm.s32 $0x500;
	[dreg:$0x17] =	wrdreg s6  }
0x20: {  	s5 =	simm.s32 $0x8;
	s15 =	simm.s32 $0x5;
	[dreg:$0x18] =	wrdreg s11  }
0x21: {  	s7 =	simm.s32 $0x9;
	[dreg:$0x19] =	wrdreg s12;
	s23 =	simm.s32 $0x400  }
0x22: {  	s12 =	simm.s32 $0x80;
	s6 =	simm.s32 $0xC600;
	[dreg:$0x1b] =	wrdreg s16  }
0x23: {  	s19 =	simm.s32 $0x1;
	s20 =	simm.s32 $0x280;
	[dreg:$0x1d] =	wrdreg s21  }
0x24: {  	s16 =	simm.s32 $0x3;
	s11 =	sadd.s32 $0xFFFFFFFF, s13;
	s26 =	rddreg [dreg:$0xb]  }
0x25: {  	s22 =	simm.s32 $0x300;
	[dreg:$0x1c] =	wrdreg s20;
	p2 =	sne.s32 s11, $0x0  }
.Ltmp0:
0x26: {  	s24 =	simm.s32 $0x180;
	[dreg:$0x1e] =	wrdreg s22;
	(pc) =	sbr.rel @!p2 .LBB2_5-.Ltmp0, $4  }
0x27: {  	s25 =	simm.s32 $0x380;
	s13 =	simm.s32 $0xA;
	[dreg:$0x1f] =	wrdreg s24  }
0x28: {  	s21 =	simm.s32 $0xD;
	[smem:$0x7FA] =	sst s25;
	s25 =	simm.s32 $0x6  }
0x29: {  	[smem:$0x7FC] =	sst s11;
	s24 =	simm.s32 $0x7;
	s22 =	sshrl.u32 @!p0 s3, $0x3  }
0x2a: {  	s11 =	simm.s32 $0xB;
	s20 =	simm.s32 $0xE;
	[smem:$0x7FD] =	sst s22  }
0x2b: {  	[tilespmem:s1], [sflag:$0xF] =	stream.linear.gather [hbm4b:s26+s1], $0x200, $0x38;
	[tilespmem:$0x1E540] =	vst v63  }
0x2c: {  	s22 =	rddreg [dreg:$0xc]  }
0x2d: {  	[tilespmem:s0], [sflag:$0x10] =	stream.linear.gather [hbm4b:s22+s1], $0x200, $0x38;
	[tilespmem:$0x1E540] =	vst v63  }
0x2e: {  	s28 =	rddreg [dreg:$0xd]  }
0x2f: {  	[tilespmem:s23], [sflag:$0x11] =	stream.linear.gather [hbm4b:s28+s1], $0x200, $0x38;
	[tilespmem:$0x1E540] =	vst v63  }
0x30: {  	_ =	swait.ge [sflag:s31], $0x200  }
0x31: {  	[sflag:s31] =	ssyncset.done $0x0  }
0x32: {  	[sflag:s31] =	ssyncadd.s32 $0xFFFFFE00  }
0x33: {  	_ =	swait.ge [sflag:s30], $0x200  }
0x34: {  	[sflag:s30] =	ssyncset.done $0x0  }
0x35: {  	[sflag:s30] =	ssyncadd.s32 $0xFFFFFE00  }
0x36: {  	_ =	swait.ge [sflag:s29], $0x200  }
0x37: {  	[sflag:s29] =	ssyncset.done $0x0  }
0x38: {  	[sflag:s29] =	ssyncadd.s32 $0xFFFFFE00  }
0x39: {  	[tilespmem:s17], [sflag:$0x1] =	stream.indirect.gather [hbm4b:s2+s12], $0x80, s1, s12, $0xb8;
	[tilespmem:$0x1E540] =	vst v63  }
0x3a: {  	_ = 	snop  }
0x3b: {  	[tilespmem:s9], [sflag:$0x2] =	stream.indirect.gather [hbm4b:s2+s12], $0x80, s23, s12, $0xb8;
	[tilespmem:$0x1E540] =	vst v63  }
0x3c: {  	_ = 	snop  }
0x3d: {  	[tilespmem:s8], [sflag:$0x3] =	stream.indirect.gather [hbm4b:s2+s12], $0x80, s12, s12, $0xb8;
	[tilespmem:$0x1E540] =	vst v63  }
0x3e: {  	s0 =	rddreg [dreg:$0x1a]  }
0x3f: {  	[tilespmem:s6], [sflag:$0x4] =	stream.indirect.gather [hbm4b:s2+s12], $0x80, s0, s12, $0xb8;
	[tilespmem:$0x1E540] =	vst v63  }
0x40: {  	s0 =	sld [smem:$0x7FD];
	_ =	sdelay $0x1  }
0x41: {  	s22 =	simm.s32 @!p0 $0x12;
	s28 =	simm.s32 @!p0 $0x1C12;
	s26 =	rddreg [dreg:$0xa]  }
0x42: {  	[spmem:s0], [sflag:s28] =	dma.local @!p0 [hbm:s26], $0x3E80  }
0x43: {  	_ =	swait.ge @!p0 [sflag:s22], $0x3E80  }
0x44: {  	[sflag:s22] =	ssyncset.done @!p0 $0x0  }
0x45: {  	[sflag:s22] =	ssyncadd.s32 @!p0 $0xFFFFC180  }
0x46: {  	[bflag:$0x0] =	sbarrier.arrive $0xFFFF  }
0x47: {  	_ =	swait.ge [sflag:s19], $0x4000  }
0x48: {  	[sflag:s19] =	ssyncset.done $0x0  }
0x49: {  	s28 =	rddreg [dreg:$0xe];
	[sflag:s19] =	ssyncadd.s32 $0xFFFFC000  }
0x4a: {  	[hbm4b:s28+s1] =	stream.linear.scatter [tilespmem:s17], [sflag:$0x8], $0x4000, $0x38;
	[tilespmem:$0x1E540] =	vst v63  }
0x4b: {  	s20 =	simm.s32 $0x200  }
0x4c: {  	[tilespmem:s4], [sflag:$0x5] =	stream.indirect.gather [spmem:s3], $0x80, s20, s12, $0xb8;
	[tilespmem:$0x1E540] =	vst v63  }
0x4d: {  	_ =	swait.ge [sflag:s18], $0x4000  }
0x4e: {  	[sflag:s18] =	ssyncset.done $0x0  }
0x4f: {  	s0 =	rddreg [dreg:$0xf];
	[sflag:s18] =	ssyncadd.s32 $0xFFFFC000  }
0x50: {  	[hbm4b:s0+s1] =	stream.linear.scatter [tilespmem:s9], [sflag:$0x9], $0x4000, $0x38;
	[tilespmem:$0x1E540] =	vst v63  }
0x51: {  	s20 =	rddreg [dreg:$0x1b];
	s0 =	simm.s32 $0x14600  }
0x52: {  	[tilespmem:s0], [sflag:$0x6] =	stream.indirect.gather [hbm4b:s2+s12], $0x80, s20, s12, $0xb8;
	[tilespmem:$0x1E540] =	vst v63  }
0x53: {  	_ =	swait.ge [sflag:s16], $0x4000  }
0x54: {  	[sflag:s16] =	ssyncset.done $0x0  }
0x55: {  	s26 =	rddreg [dreg:$0x10];
	[sflag:s16] =	ssyncadd.s32 $0xFFFFC000  }
0x56: {  	[hbm4b:s26+s1] =	stream.linear.scatter [tilespmem:s8], [sflag:$0xA], $0x4000, $0x38;
	[tilespmem:$0x1E540] =	vst v63  }
0x57: {  	s20 =	simm.s32 $0x18600;
	s28 =	rddreg [dreg:$0x1c]  }
0x58: {  	[tilespmem:s20], [sflag:$0x7] =	stream.indirect.gather [spmem:s3], $0x80, s28, s12, $0xb8;
	[tilespmem:$0x1E540] =	vst v63  }
0x59: {  	_ =	swait.ge [sflag:s14], $0x4000  }
0x5a: {  	[sflag:s14] =	ssyncset.done $0x0  }
0x5b: {  	s26 =	rddreg [dreg:$0x11];
	[sflag:s14] =	ssyncadd.s32 $0xFFFFC000  }
0x5c: {  	[hbm4b:s26+s1] =	stream.linear.scatter [tilespmem:s6], [sflag:$0xB], $0x4000, $0x38;
	[tilespmem:$0x1E540] =	vst v63  }
0x5d: {  	_ =	swait.ge [sflag:s5], $0x4000  }
0x5e: {  	[sflag:s5] =	ssyncset.done $0x0  }
0x5f: {  	s28 =	rddreg [dreg:$0x1d];
	[sflag:s5] =	ssyncadd.s32 $0xFFFFC000  }
0x60: {  	[tilespmem:s17], [sflag:$0x1] =	stream.indirect.gather [hbm4b:s2+s12], $0x80, s28, s12, $0xb8;
	[tilespmem:$0x1E540] =	vst v63  }
0x61: {  	_ =	swait.ge [sflag:s15], $0x4000  }
0x62: {  	[sflag:s15] =	ssyncset.done $0x0  }
0x63: {  	s26 =	rddreg [dreg:$0x12];
	[sflag:s15] =	ssyncadd.s32 $0xFFFFC000  }
0x64: {  	[hbm4b:s26+s1] =	stream.linear.scatter [tilespmem:s4], [sflag:$0xC], $0x4000, $0x38;
	[tilespmem:$0x1E540] =	vst v63  }
0x65: {  	_ =	swait.ge [sflag:s7], $0x4000  }
0x66: {  	[sflag:s7] =	ssyncset.done $0x0  }
0x67: {  	s28 =	rddreg [dreg:$0x1e];
	[sflag:s7] =	ssyncadd.s32 $0xFFFFC000  }
0x68: {  	[tilespmem:s9], [sflag:$0x2] =	stream.indirect.gather [spmem:s3], $0x80, s28, s12, $0xb8;
	[tilespmem:$0x1E540] =	vst v63  }
0x69: {  	_ =	swait.ge [sflag:s25], $0x4000  }
0x6a: {  	[sflag:s25] =	ssyncset.done $0x0  }
0x6b: {  	s26 =	rddreg [dreg:$0x13];
	[sflag:s25] =	ssyncadd.s32 $0xFFFFC000  }
0x6c: {  	[hbm4b:s26+s1] =	stream.linear.scatter [tilespmem:s0], [sflag:$0xD], $0x4000, $0x38;
	[tilespmem:$0x1E540] =	vst v63  }
0x6d: {  	_ =	swait.ge [sflag:s13], $0x4000  }
0x6e: {  	[sflag:s13] =	ssyncset.done $0x0  }
0x6f: {  	s28 =	rddreg [dreg:$0x1f];
	[sflag:s13] =	ssyncadd.s32 $0xFFFFC000  }
0x70: {  	[tilespmem:s8], [sflag:$0x3] =	stream.indirect.gather [hbm4b:s2+s12], $0x80, s28, s12, $0xb8;
	[tilespmem:$0x1E540] =	vst v63  }
0x71: {  	_ =	swait.ge [sflag:s24], $0x4000  }
0x72: {  	[sflag:s24] =	ssyncset.done $0x0  }
0x73: {  	s0 =	rddreg [dreg:$0x14];
	[sflag:s24] =	ssyncadd.s32 $0xFFFFC000  }
0x74: {  	[hbm4b:s0+s1] =	stream.linear.scatter [tilespmem:s20], [sflag:$0xE], $0x4000, $0x38;
	[tilespmem:$0x1E540] =	vst v63  }
0x75: {  	_ =	swait.ge [sflag:s11], $0x4000  }
0x76: {  	s26 =	sld [smem:$0x7FA]  }
0x77: {  	[sflag:s11] =	ssyncset.done $0x0  }
0x78: {  	[sflag:s11] =	ssyncadd.s32 $0xFFFFC000  }
0x79: {  	[tilespmem:s6], [sflag:$0x4] =	stream.indirect.gather [spmem:s3], $0x80, s26, s12, $0xb8;
	[tilespmem:$0x1E540] =	vst v63  }
0x7a: {  	_ =	swait.ge [sflag:s19], $0x4000  }
0x7b: {  	[sflag:s19] =	ssyncset.done $0x0  }
0x7c: {  	s28 =	rddreg [dreg:$0x15];
	[sflag:s19] =	ssyncadd.s32 $0xFFFFC000  }
0x7d: {  	[hbm4b:s28+s1] =	stream.linear.scatter [tilespmem:s17], [sflag:$0x8], $0x4000, $0x38;
	[tilespmem:$0x1E540] =	vst v63  }
0x7e: {  	_ =	swait.ge [sflag:s10], $0x4000  }
0x7f: {  	s0 =	sld [smem:$0x7FB]  }
0x80: {  	[sflag:s10] =	ssyncset.done $0x0  }
0x81: {  	[sflag:s10] =	ssyncadd.s32 $0xFFFFC000  }
0x82: {  	[tilespmem:s4], [sflag:$0x5] =	stream.indirect.gather [hbm4b:s2+s12], $0x80, s0, s12, $0xb8;
	[tilespmem:$0x1E540] =	vst v63  }
0x83: {  	_ =	swait.ge [sflag:s18], $0x4000  }
0x84: {  	[sflag:s18] =	ssyncset.done $0x0  }
0x85: {  	s26 =	rddreg [dreg:$0x16];
	[sflag:s18] =	ssyncadd.s32 $0xFFFFC000  }
0x86: {  	[hbm4b:s26+s1] =	stream.linear.scatter [tilespmem:s9], [sflag:$0x9], $0x4000, $0x38;
	[tilespmem:$0x1E540] =	vst v63  }
0x87: {  	_ =	swait.ge [sflag:s16], $0x4000  }
0x88: {  	[sflag:s16] =	ssyncset.done $0x0  }
0x89: {  	s28 =	rddreg [dreg:$0x17];
	[sflag:s16] =	ssyncadd.s32 $0xFFFFC000  }
0x8a: {  	[hbm4b:s28+s1] =	stream.linear.scatter [tilespmem:s8], [sflag:$0xA], $0x4000, $0x38;
	[tilespmem:$0x1E540] =	vst v63  }
0x8b: {  	_ =	swait.ge [sflag:s14], $0x4000  }
0x8c: {  	[sflag:s14] =	ssyncset.done $0x0  }
0x8d: {  	s0 =	rddreg [dreg:$0x18];
	[sflag:s14] =	ssyncadd.s32 $0xFFFFC000  }
0x8e: {  	[hbm4b:s0+s1] =	stream.linear.scatter [tilespmem:s6], [sflag:$0xB], $0x4000, $0x38;
	[tilespmem:$0x1E540] =	vst v63  }
0x8f: {  	_ =	swait.ge [sflag:s15], $0x4000  }
0x90: {  	[sflag:s15] =	ssyncset.done $0x0  }
0x91: {  	s26 =	rddreg [dreg:$0x19];
	[sflag:s15] =	ssyncadd.s32 $0xFFFFC000  }
0x92: {  	[hbm4b:s26+s1] =	stream.linear.scatter [tilespmem:s4], [sflag:$0xC], $0x4000, $0x38;
	[tilespmem:$0x1E540] =	vst v63  }
0x93: {  	_ =	swait.ge [sflag:s21], $0x4000  }
0x94: {  	[sflag:s21] =	ssyncset.done $0x0  }
0x95: {  	s20 =	simm.s32 $0xE;
	[sflag:s21] =	ssyncadd.s32 $0xFFFFC000  }
0x96: {  	_ =	swait.ge [sflag:s20], $0x4000  }
0x97: {  	[sflag:s20] =	ssyncset.done $0x0  }
0x98: {  	[sflag:s20] =	ssyncadd.s32 $0xFFFFC000  }
0x99: {  	_ =	swait.ge [sflag:s5], $0x4000  }
0x9a: {  	[sflag:s5] =	ssyncset.done $0x0  }
0x9b: {  	[sflag:s5] =	ssyncadd.s32 $0xFFFFC000  }
0x9c: {  	_ =	swait.ge [sflag:s7], $0x4000  }
0x9d: {  	[sflag:s7] =	ssyncset.done $0x0  }
0x9e: {  	[sflag:s7] =	ssyncadd.s32 $0xFFFFC000  }
0x9f: {  	_ =	swait.ge [sflag:s13], $0x4000  }
0xa0: {  	[sflag:s13] =	ssyncset.done $0x0  }
0xa1: {  	[sflag:s13] =	ssyncadd.s32 $0xFFFFC000  }
0xa2: {  	_ =	swait.ge [sflag:s11], $0x4000  }
0xa3: {  	s28 =	sld [smem:$0x7FC];
	_ =	sdelay $0x2  }
0xa4: {  	s23 =	sadd.s32 $0xFFFFFFFF, s28  }
0xa5: {  	p2 =	sne.s32 s23, $0x0  }
.Ltmp1:
0xa6: {  	_ = 	snop;
	(pc) =	sbr.rel @!p2 .LBB2_2-.Ltmp1, $4  }
0xa7: {  	[sflag:s11] =	ssyncset.done $0x0  }
0xa8: {  	[sflag:s11] =	ssyncadd.s32 $0xFFFFC000  }
0xa9: {  	_ =	swait.ge [sflag:s10], $0x4000  }
0xaa: {  	p1 =	por $0x1, $0x1;
	s26 =	rddreg [dreg:$0xb];
	[sflag:s10] =	ssyncset.done $0x0  }
.LBB2_3:
0xab: {  	[sflag:s10] =	ssyncadd.s32 $0xFFFFC000  }
0xac: {  	[tilespmem:s1], [sflag:$0xF] =	stream.linear.gather [hbm4b:s26+s1], $0x200, $0x38;
	[tilespmem:$0x1E540] =	vst v63  }
0xad: {  	s28 =	rddreg [dreg:$0xc];
	s20 =	simm.s32 $0x200  }
0xae: {  	[tilespmem:s20], [sflag:$0x10] =	stream.linear.gather [hbm4b:s28+s1], $0x200, $0x38;
	[tilespmem:$0x1E540] =	vst v63  }
0xaf: {  	s0 =	simm.s32 $0x400;
	s26 =	rddreg [dreg:$0xd]  }
0xb0: {  	[tilespmem:s0], [sflag:$0x11] =	stream.linear.gather [hbm4b:s26+s1], $0x200, $0x38;
	[tilespmem:$0x1E540] =	vst v63  }
0xb1: {  	_ =	swait.ge [sflag:s31], $0x200  }
0xb2: {  	[sflag:s31] =	ssyncset.done $0x0  }
0xb3: {  	[sflag:s31] =	ssyncadd.s32 $0xFFFFFE00  }
0xb4: {  	_ =	swait.ge [sflag:s30], $0x200  }
0xb5: {  	[sflag:s30] =	ssyncset.done $0x0  }
0xb6: {  	[sflag:s30] =	ssyncadd.s32 $0xFFFFFE00  }
0xb7: {  	_ =	swait.ge [sflag:s29], $0x200  }
0xb8: {  	[sflag:s29] =	ssyncset.done $0x0  }
0xb9: {  	[sflag:s29] =	ssyncadd.s32 $0xFFFFFE00  }
0xba: {  	[tilespmem:s17], [sflag:$0x1] =	stream.indirect.gather [hbm4b:s2+s12], $0x80, s1, s12, $0xb8;
	[tilespmem:$0x1E540] =	vst v63  }
0xbb: {  	_ = 	snop  }
0xbc: {  	[tilespmem:s9], [sflag:$0x2] =	stream.indirect.gather [hbm4b:s2+s12], $0x80, s0, s12, $0xb8;
	[tilespmem:$0x1E540] =	vst v63  }
0xbd: {  	_ = 	snop  }
0xbe: {  	[tilespmem:s8], [sflag:$0x3] =	stream.indirect.gather [hbm4b:s2+s12], $0x80, s12, s12, $0xb8;
	[tilespmem:$0x1E540] =	vst v63  }
0xbf: {  	s0 =	rddreg [dreg:$0x1a]  }
0xc0: {  	[tilespmem:s6], [sflag:$0x4] =	stream.indirect.gather [hbm4b:s2+s12], $0x80, s0, s12, $0xb8;
	[tilespmem:$0x1E540] =	vst v63  }
0xc1: {  	s0 =	sld [smem:$0x7FD];
	_ =	sdelay $0x1  }
0xc2: {  	s28 =	simm.s32 @!p0 $0x1C12;
	s26 =	rddreg [dreg:$0xa]  }
0xc3: {  	[spmem:s0], [sflag:s28] =	dma.local @!p0 [hbm:s26], $0x3E80  }
0xc4: {  	_ =	swait.ge @!p0 [sflag:s22], $0x3E80  }
0xc5: {  	[sflag:s22] =	ssyncset.done @!p0 $0x0  }
0xc6: {  	[sflag:s22] =	ssyncadd.s32 @!p0 $0xFFFFC180  }
0xc7: {  	[bflag:$0x0] =	sbarrier.arrive $0xFFFF  }
0xc8: {  	_ =	swait.ge [sflag:s19], $0x4000  }
0xc9: {  	[sflag:s19] =	ssyncset.done $0x0  }
0xca: {  	s28 =	rddreg [dreg:$0xe];
	[sflag:s19] =	ssyncadd.s32 $0xFFFFC000  }
0xcb: {  	[hbm4b:s28+s1] =	stream.linear.scatter [tilespmem:s17], [sflag:$0x8], $0x4000, $0x38;
	[tilespmem:$0x1E540] =	vst v63  }
0xcc: {  	_ = 	snop  }
0xcd: {  	[tilespmem:s4], [sflag:$0x5] =	stream.indirect.gather [spmem:s3], $0x80, s20, s12, $0xb8;
	[tilespmem:$0x1E540] =	vst v63  }
0xce: {  	_ =	swait.ge [sflag:s18], $0x4000  }
0xcf: {  	[sflag:s18] =	ssyncset.done $0x0  }
0xd0: {  	s0 =	rddreg [dreg:$0xf];
	[sflag:s18] =	ssyncadd.s32 $0xFFFFC000  }
0xd1: {  	[hbm4b:s0+s1] =	stream.linear.scatter [tilespmem:s9], [sflag:$0x9], $0x4000, $0x38;
	[tilespmem:$0x1E540] =	vst v63  }
0xd2: {  	s20 =	rddreg [dreg:$0x1b];
	s0 =	simm.s32 $0x14600  }
0xd3: {  	[tilespmem:s0], [sflag:$0x6] =	stream.indirect.gather [hbm4b:s2+s12], $0x80, s20, s12, $0xb8;
	[tilespmem:$0x1E540] =	vst v63  }
0xd4: {  	_ =	swait.ge [sflag:s16], $0x4000  }
0xd5: {  	[sflag:s16] =	ssyncset.done $0x0  }
0xd6: {  	s20 =	rddreg [dreg:$0x10];
	[sflag:s16] =	ssyncadd.s32 $0xFFFFC000  }
0xd7: {  	[hbm4b:s20+s1] =	stream.linear.scatter [tilespmem:s8], [sflag:$0xA], $0x4000, $0x38;
	[tilespmem:$0x1E540] =	vst v63  }
0xd8: {  	s28 =	rddreg [dreg:$0x1c];
	s20 =	simm.s32 $0x18600  }
0xd9: {  	[tilespmem:s20], [sflag:$0x7] =	stream.indirect.gather [spmem:s3], $0x80, s28, s12, $0xb8;
	[tilespmem:$0x1E540] =	vst v63  }
0xda: {  	_ =	swait.ge [sflag:s14], $0x4000  }
0xdb: {  	[sflag:s14] =	ssyncset.done $0x0  }
0xdc: {  	s28 =	rddreg [dreg:$0x11];
	[sflag:s14] =	ssyncadd.s32 $0xFFFFC000  }
0xdd: {  	[hbm4b:s28+s1] =	stream.linear.scatter [tilespmem:s6], [sflag:$0xB], $0x4000, $0x38;
	[tilespmem:$0x1E540] =	vst v63  }
0xde: {  	_ =	swait.ge [sflag:s5], $0x4000  }
0xdf: {  	[sflag:s5] =	ssyncset.done $0x0  }
0xe0: {  	s28 =	rddreg [dreg:$0x1d];
	[sflag:s5] =	ssyncadd.s32 $0xFFFFC000  }
0xe1: {  	[tilespmem:s17], [sflag:$0x1] =	stream.indirect.gather [hbm4b:s2+s12], $0x80, s28, s12, $0xb8;
	[tilespmem:$0x1E540] =	vst v63  }
0xe2: {  	_ =	swait.ge [sflag:s15], $0x4000  }
0xe3: {  	[sflag:s15] =	ssyncset.done $0x0  }
0xe4: {  	s28 =	rddreg [dreg:$0x12];
	[sflag:s15] =	ssyncadd.s32 $0xFFFFC000  }
0xe5: {  	[hbm4b:s28+s1] =	stream.linear.scatter [tilespmem:s4], [sflag:$0xC], $0x4000, $0x38;
	[tilespmem:$0x1E540] =	vst v63  }
0xe6: {  	_ =	swait.ge [sflag:s7], $0x4000  }
0xe7: {  	[sflag:s7] =	ssyncset.done $0x0  }
0xe8: {  	s28 =	rddreg [dreg:$0x1e];
	[sflag:s7] =	ssyncadd.s32 $0xFFFFC000  }
0xe9: {  	[tilespmem:s9], [sflag:$0x2] =	stream.indirect.gather [spmem:s3], $0x80, s28, s12, $0xb8;
	[tilespmem:$0x1E540] =	vst v63  }
0xea: {  	_ =	swait.ge [sflag:s25], $0x4000  }
0xeb: {  	[sflag:s25] =	ssyncset.done $0x0  }
0xec: {  	s28 =	rddreg [dreg:$0x13];
	[sflag:s25] =	ssyncadd.s32 $0xFFFFC000  }
0xed: {  	[hbm4b:s28+s1] =	stream.linear.scatter [tilespmem:s0], [sflag:$0xD], $0x4000, $0x38;
	[tilespmem:$0x1E540] =	vst v63  }
0xee: {  	_ =	swait.ge [sflag:s13], $0x4000  }
0xef: {  	[sflag:s13] =	ssyncset.done $0x0  }
0xf0: {  	s28 =	rddreg [dreg:$0x1f];
	[sflag:s13] =	ssyncadd.s32 $0xFFFFC000  }
0xf1: {  	[tilespmem:s8], [sflag:$0x3] =	stream.indirect.gather [hbm4b:s2+s12], $0x80, s28, s12, $0xb8;
	[tilespmem:$0x1E540] =	vst v63  }
0xf2: {  	_ =	swait.ge [sflag:s24], $0x4000  }
0xf3: {  	[sflag:s24] =	ssyncset.done $0x0  }
0xf4: {  	s0 =	rddreg [dreg:$0x14];
	[sflag:s24] =	ssyncadd.s32 $0xFFFFC000  }
0xf5: {  	[hbm4b:s0+s1] =	stream.linear.scatter [tilespmem:s20], [sflag:$0xE], $0x4000, $0x38;
	[tilespmem:$0x1E540] =	vst v63  }
0xf6: {  	_ =	swait.ge [sflag:s11], $0x4000  }
0xf7: {  	s28 =	sld [smem:$0x7FA]  }
0xf8: {  	[sflag:s11] =	ssyncset.done $0x0  }
0xf9: {  	[sflag:s11] =	ssyncadd.s32 $0xFFFFC000  }
0xfa: {  	[tilespmem:s6], [sflag:$0x4] =	stream.indirect.gather [spmem:s3], $0x80, s28, s12, $0xb8;
	[tilespmem:$0x1E540] =	vst v63  }
0xfb: {  	_ =	swait.ge [sflag:s19], $0x4000  }
0xfc: {  	[sflag:s19] =	ssyncset.done $0x0  }
0xfd: {  	s0 =	rddreg [dreg:$0x15];
	[sflag:s19] =	ssyncadd.s32 $0xFFFFC000  }
0xfe: {  	[hbm4b:s0+s1] =	stream.linear.scatter [tilespmem:s17], [sflag:$0x8], $0x4000, $0x38;
	[tilespmem:$0x1E540] =	vst v63  }
0xff: {  	_ =	swait.ge [sflag:s10], $0x4000  }
0x100: {  	s28 =	sld [smem:$0x7FB]  }
0x101: {  	[sflag:s10] =	ssyncset.done $0x0  }
0x102: {  	[sflag:s10] =	ssyncadd.s32 $0xFFFFC000  }
0x103: {  	[tilespmem:s4], [sflag:$0x5] =	stream.indirect.gather [hbm4b:s2+s12], $0x80, s28, s12, $0xb8;
	[tilespmem:$0x1E540] =	vst v63  }
0x104: {  	_ =	swait.ge [sflag:s18], $0x4000  }
0x105: {  	[sflag:s18] =	ssyncset.done $0x0  }
0x106: {  	s0 =	rddreg [dreg:$0x16];
	[sflag:s18] =	ssyncadd.s32 $0xFFFFC000  }
0x107: {  	[hbm4b:s0+s1] =	stream.linear.scatter [tilespmem:s9], [sflag:$0x9], $0x4000, $0x38;
	[tilespmem:$0x1E540] =	vst v63  }
0x108: {  	_ =	swait.ge [sflag:s16], $0x4000  }
0x109: {  	[sflag:s16] =	ssyncset.done $0x0  }
0x10a: {  	s28 =	rddreg [dreg:$0x17];
	[sflag:s16] =	ssyncadd.s32 $0xFFFFC000  }
0x10b: {  	[hbm4b:s28+s1] =	stream.linear.scatter [tilespmem:s8], [sflag:$0xA], $0x4000, $0x38;
	[tilespmem:$0x1E540] =	vst v63  }
0x10c: {  	_ =	swait.ge [sflag:s14], $0x4000  }
0x10d: {  	[sflag:s14] =	ssyncset.done $0x0  }
0x10e: {  	s0 =	rddreg [dreg:$0x18];
	[sflag:s14] =	ssyncadd.s32 $0xFFFFC000  }
0x10f: {  	[hbm4b:s0+s1] =	stream.linear.scatter [tilespmem:s6], [sflag:$0xB], $0x4000, $0x38;
	[tilespmem:$0x1E540] =	vst v63  }
0x110: {  	_ =	swait.ge [sflag:s15], $0x4000  }
0x111: {  	[sflag:s15] =	ssyncset.done $0x0  }
0x112: {  	s28 =	rddreg [dreg:$0x19];
	[sflag:s15] =	ssyncadd.s32 $0xFFFFC000  }
0x113: {  	[hbm4b:s28+s1] =	stream.linear.scatter [tilespmem:s4], [sflag:$0xC], $0x4000, $0x38;
	[tilespmem:$0x1E540] =	vst v63  }
0x114: {  	_ =	swait.ge [sflag:s21], $0x4000  }
0x115: {  	[sflag:s21] =	ssyncset.done $0x0  }
0x116: {  	s20 =	simm.s32 $0xE;
	[sflag:s21] =	ssyncadd.s32 $0xFFFFC000  }
0x117: {  	_ =	swait.ge [sflag:s20], $0x4000  }
0x118: {  	[sflag:s20] =	ssyncset.done $0x0  }
0x119: {  	[sflag:s20] =	ssyncadd.s32 $0xFFFFC000  }
0x11a: {  	_ =	swait.ge [sflag:s5], $0x4000  }
0x11b: {  	[sflag:s5] =	ssyncset.done $0x0  }
0x11c: {  	[sflag:s5] =	ssyncadd.s32 $0xFFFFC000  }
0x11d: {  	_ =	swait.ge [sflag:s7], $0x4000  }
0x11e: {  	[sflag:s7] =	ssyncset.done $0x0  }
0x11f: {  	[sflag:s7] =	ssyncadd.s32 $0xFFFFC000  }
0x120: {  	_ =	swait.ge [sflag:s13], $0x4000  }
0x121: {  	s23 =	sadd.s32 $0xFFFFFFFF, s23;
	[sflag:s13] =	ssyncset.done $0x0  }
0x122: {  	p2 =	sne.s32 s23, $0x0;
	[sflag:s13] =	ssyncadd.s32 $0xFFFFC000  }
.Ltmp2:
0x123: {  	_ =	swait.ge [sflag:s11], $0x4000;
	(pc) =	sbr.rel @p2 .LBB2_3-.Ltmp2, $4  }
0x124: {  	[sflag:s11] =	ssyncset.done $0x0  }
0x125: {  	[sflag:s11] =	ssyncadd.s32 $0xFFFFC000  }
0x126: {  	_ =	swait.ge [sflag:s10], $0x4000  }
0x127: {  	s26 =	rddreg [dreg:$0xb];
	[sflag:s10] =	ssyncset.done $0x0  }
0x128: {  	s28 =	rddreg [dreg:$0x9]  }
.LBB2_5:
0x129: {  	[sflag:s10] =	ssyncadd.s32 @p1 $0xFFFFC000  }
0x12a: {  	[tilespmem:s1], [sflag:$0xF] =	stream.linear.gather [hbm4b:s26+s1], $0x200, $0x38;
	[tilespmem:$0x1E540] =	vst v63  }
0x12b: {  	s22 =	rddreg [dreg:$0xc];
	s26 =	simm.s32 $0x200  }
0x12c: {  	[tilespmem:s26], [sflag:$0x10] =	stream.linear.gather [hbm4b:s22+s1], $0x200, $0x38;
	[tilespmem:$0x1E540] =	vst v63  }
0x12d: {  	s23 =	rddreg [dreg:$0xd];
	s0 =	simm.s32 $0x400  }
0x12e: {  	[tilespmem:s0], [sflag:$0x11] =	stream.linear.gather [hbm4b:s23+s1], $0x200, $0x38;
	[tilespmem:$0x1E540] =	vst v63  }
0x12f: {  	_ =	swait.ge [sflag:s31], $0x200  }
0x130: {  	[sflag:s31] =	ssyncset.done $0x0  }
0x131: {  	[sflag:s31] =	ssyncadd.s32 $0xFFFFFE00  }
0x132: {  	_ =	swait.ge [sflag:s30], $0x200  }
0x133: {  	[sflag:s30] =	ssyncset.done $0x0  }
0x134: {  	[sflag:s30] =	ssyncadd.s32 $0xFFFFFE00  }
0x135: {  	_ =	swait.ge [sflag:s29], $0x200  }
0x136: {  	[sflag:s29] =	ssyncset.done $0x0  }
0x137: {  	[sflag:s29] =	ssyncadd.s32 $0xFFFFFE00  }
0x138: {  	[tilespmem:s17], [sflag:$0x1] =	stream.indirect.gather [hbm4b:s2+s12], $0x80, s1, s12, $0xb8;
	[tilespmem:$0x1E540] =	vst v63  }
0x139: {  	_ = 	snop  }
0x13a: {  	[tilespmem:s9], [sflag:$0x2] =	stream.indirect.gather [hbm4b:s2+s12], $0x80, s0, s12, $0xb8;
	[tilespmem:$0x1E540] =	vst v63  }
0x13b: {  	_ = 	snop  }
0x13c: {  	[tilespmem:s8], [sflag:$0x3] =	stream.indirect.gather [hbm4b:s2+s12], $0x80, s12, s12, $0xb8;
	[tilespmem:$0x1E540] =	vst v63  }
0x13d: {  	s0 =	rddreg [dreg:$0x1a]  }
0x13e: {  	[tilespmem:s6], [sflag:$0x4] =	stream.indirect.gather [hbm4b:s2+s12], $0x80, s0, s12, $0xb8;
	[tilespmem:$0x1E540] =	vst v63  }
0x13f: {  	s0 =	sld [smem:$0x7FD];
	_ =	sdelay $0x1  }
0x140: {  	s22 =	simm.s32 @!p0 $0x1C12;
	s23 =	rddreg [dreg:$0xa]  }
0x141: {  	[spmem:s0], [sflag:s22] =	dma.local @!p0 [hbm:s23], $0x3E80  }
0x142: {  	s0 =	simm.s32 @!p0 $0x12  }
0x143: {  	_ =	swait.ge @!p0 [sflag:s0], $0x3E80  }
0x144: {  	[sflag:s0] =	ssyncset.done @!p0 $0x0  }
0x145: {  	[sflag:s0] =	ssyncadd.s32 @!p0 $0xFFFFC180  }
0x146: {  	[bflag:$0x0] =	sbarrier.arrive $0xFFFF  }
0x147: {  	_ =	swait.ge [sflag:s19], $0x4000  }
0x148: {  	[sflag:s19] =	ssyncset.done $0x0  }
0x149: {  	s29 =	rddreg [dreg:$0xe];
	[sflag:s19] =	ssyncadd.s32 $0xFFFFC000  }
0x14a: {  	[hbm4b:s29+s1] =	stream.linear.scatter [tilespmem:s17], [sflag:$0x8], $0x4000, $0x38;
	[tilespmem:$0x1E540] =	vst v63  }
0x14b: {  	_ = 	snop  }
0x14c: {  	[tilespmem:s4], [sflag:$0x5] =	stream.indirect.gather [spmem:s3], $0x80, s26, s12, $0xb8;
	[tilespmem:$0x1E540] =	vst v63  }
0x14d: {  	_ =	swait.ge [sflag:s18], $0x4000  }
0x14e: {  	[sflag:s18] =	ssyncset.done $0x0  }
0x14f: {  	s30 =	rddreg [dreg:$0xf];
	[sflag:s18] =	ssyncadd.s32 $0xFFFFC000  }
0x150: {  	[hbm4b:s30+s1] =	stream.linear.scatter [tilespmem:s9], [sflag:$0x9], $0x4000, $0x38;
	[tilespmem:$0x1E540] =	vst v63  }
0x151: {  	s26 =	simm.s32 $0x14600;
	s31 =	rddreg [dreg:$0x1b]  }
0x152: {  	[tilespmem:s26], [sflag:$0x6] =	stream.indirect.gather [hbm4b:s2+s12], $0x80, s31, s12, $0xb8;
	[tilespmem:$0x1E540] =	vst v63  }
0x153: {  	_ =	swait.ge [sflag:s16], $0x4000  }
0x154: {  	[sflag:s16] =	ssyncset.done $0x0  }
0x155: {  	s23 =	rddreg [dreg:$0x10];
	[sflag:s16] =	ssyncadd.s32 $0xFFFFC000  }
0x156: {  	[hbm4b:s23+s1] =	stream.linear.scatter [tilespmem:s8], [sflag:$0xA], $0x4000, $0x38;
	[tilespmem:$0x1E540] =	vst v63  }
0x157: {  	s29 =	rddreg [dreg:$0x1c];
	s23 =	simm.s32 $0x18600  }
0x158: {  	[tilespmem:s23], [sflag:$0x7] =	stream.indirect.gather [spmem:s3], $0x80, s29, s12, $0xb8;
	[tilespmem:$0x1E540] =	vst v63  }
0x159: {  	_ =	swait.ge [sflag:s14], $0x4000  }
0x15a: {  	[sflag:s14] =	ssyncset.done $0x0  }
0x15b: {  	s30 =	rddreg [dreg:$0x11];
	[sflag:s14] =	ssyncadd.s32 $0xFFFFC000  }
0x15c: {  	[hbm4b:s30+s1] =	stream.linear.scatter [tilespmem:s6], [sflag:$0xB], $0x4000, $0x38;
	[tilespmem:$0x1E540] =	vst v63  }
0x15d: {  	_ =	swait.ge [sflag:s5], $0x4000  }
0x15e: {  	[sflag:s5] =	ssyncset.done $0x0  }
0x15f: {  	s31 =	rddreg [dreg:$0x1d];
	[sflag:s5] =	ssyncadd.s32 $0xFFFFC000  }
0x160: {  	[tilespmem:s17], [sflag:$0x1] =	stream.indirect.gather [hbm4b:s2+s12], $0x80, s31, s12, $0xb8;
	[tilespmem:$0x1E540] =	vst v63  }
0x161: {  	_ =	swait.ge [sflag:s15], $0x4000  }
0x162: {  	[sflag:s15] =	ssyncset.done $0x0  }
0x163: {  	s22 =	rddreg [dreg:$0x12];
	[sflag:s15] =	ssyncadd.s32 $0xFFFFC000  }
0x164: {  	[hbm4b:s22+s1] =	stream.linear.scatter [tilespmem:s4], [sflag:$0xC], $0x4000, $0x38;
	[tilespmem:$0x1E540] =	vst v63  }
0x165: {  	_ =	swait.ge [sflag:s7], $0x4000  }
0x166: {  	[sflag:s7] =	ssyncset.done $0x0  }
0x167: {  	s29 =	rddreg [dreg:$0x1e];
	[sflag:s7] =	ssyncadd.s32 $0xFFFFC000  }
0x168: {  	[tilespmem:s9], [sflag:$0x2] =	stream.indirect.gather [spmem:s3], $0x80, s29, s12, $0xb8;
	[tilespmem:$0x1E540] =	vst v63  }
0x169: {  	_ =	swait.ge [sflag:s25], $0x4000  }
0x16a: {  	[sflag:s25] =	ssyncset.done $0x0  }
0x16b: {  	s30 =	rddreg [dreg:$0x13];
	[sflag:s25] =	ssyncadd.s32 $0xFFFFC000  }
0x16c: {  	[hbm4b:s30+s1] =	stream.linear.scatter [tilespmem:s26], [sflag:$0xD], $0x4000, $0x38;
	[tilespmem:$0x1E540] =	vst v63  }
0x16d: {  	_ =	swait.ge [sflag:s13], $0x4000  }
0x16e: {  	[sflag:s13] =	ssyncset.done $0x0  }
0x16f: {  	s31 =	rddreg [dreg:$0x1f];
	[sflag:s13] =	ssyncadd.s32 $0xFFFFC000  }
0x170: {  	[tilespmem:s8], [sflag:$0x3] =	stream.indirect.gather [hbm4b:s2+s12], $0x80, s31, s12, $0xb8;
	[tilespmem:$0x1E540] =	vst v63  }
0x171: {  	_ =	swait.ge [sflag:s24], $0x4000  }
0x172: {  	[sflag:s24] =	ssyncset.done $0x0  }
0x173: {  	s22 =	rddreg [dreg:$0x14];
	[sflag:s24] =	ssyncadd.s32 $0xFFFFC000  }
0x174: {  	[hbm4b:s22+s1] =	stream.linear.scatter [tilespmem:s23], [sflag:$0xE], $0x4000, $0x38;
	[tilespmem:$0x1E540] =	vst v63  }
0x175: {  	_ =	swait.ge [sflag:s11], $0x4000  }
0x176: {  	s23 =	sld [smem:$0x7FA]  }
0x177: {  	[sflag:s11] =	ssyncset.done $0x0  }
0x178: {  	[sflag:s11] =	ssyncadd.s32 $0xFFFFC000  }
0x179: {  	[tilespmem:s6], [sflag:$0x4] =	stream.indirect.gather [spmem:s3], $0x80, s23, s12, $0xb8;
	[tilespmem:$0x1E540] =	vst v63  }
0x17a: {  	_ =	swait.ge [sflag:s19], $0x4000  }
0x17b: {  	[sflag:s19] =	ssyncset.done $0x0  }
0x17c: {  	s24 =	rddreg [dreg:$0x15];
	[sflag:s19] =	ssyncadd.s32 $0xFFFFC000  }
0x17d: {  	[hbm4b:s24+s1] =	stream.linear.scatter [tilespmem:s17], [sflag:$0x8], $0x4000, $0x38;
	[tilespmem:$0x1E540] =	vst v63  }
0x17e: {  	_ =	swait.ge [sflag:s10], $0x4000  }
0x17f: {  	s25 =	sld [smem:$0x7FB]  }
0x180: {  	[sflag:s10] =	ssyncset.done $0x0  }
0x181: {  	[sflag:s10] =	ssyncadd.s32 $0xFFFFC000  }
0x182: {  	[tilespmem:s4], [sflag:$0x5] =	stream.indirect.gather [hbm4b:s2+s12], $0x80, s25, s12, $0xb8;
	[tilespmem:$0x1E540] =	vst v63  }
0x183: {  	_ =	swait.ge [sflag:s18], $0x4000  }
0x184: {  	[sflag:s18] =	ssyncset.done $0x0  }
0x185: {  	s26 =	rddreg [dreg:$0x16];
	[sflag:s18] =	ssyncadd.s32 $0xFFFFC000  }
0x186: {  	[hbm4b:s26+s1] =	stream.linear.scatter [tilespmem:s9], [sflag:$0x9], $0x4000, $0x38;
	[tilespmem:$0x1E540] =	vst v63  }
0x187: {  	_ =	swait.ge [sflag:s16], $0x4000  }
0x188: {  	[sflag:s16] =	ssyncset.done $0x0  }
0x189: {  	s29 =	rddreg [dreg:$0x17];
	[sflag:s16] =	ssyncadd.s32 $0xFFFFC000  }
0x18a: {  	[hbm4b:s29+s1] =	stream.linear.scatter [tilespmem:s8], [sflag:$0xA], $0x4000, $0x38;
	[tilespmem:$0x1E540] =	vst v63  }
0x18b: {  	_ =	swait.ge [sflag:s14], $0x4000  }
0x18c: {  	[sflag:s14] =	ssyncset.done $0x0  }
0x18d: {  	s30 =	rddreg [dreg:$0x18];
	[sflag:s14] =	ssyncadd.s32 $0xFFFFC000  }
0x18e: {  	[hbm4b:s30+s1] =	stream.linear.scatter [tilespmem:s6], [sflag:$0xB], $0x4000, $0x38;
	[tilespmem:$0x1E540] =	vst v63  }
0x18f: {  	_ =	swait.ge [sflag:s15], $0x4000  }
0x190: {  	[sflag:s15] =	ssyncset.done $0x0  }
0x191: {  	s31 =	rddreg [dreg:$0x19];
	[sflag:s15] =	ssyncadd.s32 $0xFFFFC000  }
0x192: {  	[hbm4b:s31+s1] =	stream.linear.scatter [tilespmem:s4], [sflag:$0xC], $0x4000, $0x38;
	[tilespmem:$0x1E540] =	vst v63  }
0x193: {  	_ =	swait.ge [sflag:s21], $0x4000  }
0x194: {  	[sflag:s21] =	ssyncset.done $0x0  }
0x195: {  	[sflag:s21] =	ssyncadd.s32 $0xFFFFC000  }
0x196: {  	_ =	swait.ge [sflag:s20], $0x4000  }
0x197: {  	[sflag:s20] =	ssyncset.done $0x0  }
0x198: {  	[sflag:s20] =	ssyncadd.s32 $0xFFFFC000  }
0x199: {  	_ =	swait.ge [sflag:s5], $0x4000  }
0x19a: {  	[sflag:s5] =	ssyncset.done $0x0  }
0x19b: {  	[sflag:s5] =	ssyncadd.s32 $0xFFFFC000  }
0x19c: {  	_ =	swait.ge [sflag:s7], $0x4000  }
0x19d: {  	[sflag:s7] =	ssyncset.done $0x0  }
0x19e: {  	[sflag:s7] =	ssyncadd.s32 $0xFFFFC000  }
0x19f: {  	_ =	swait.ge [sflag:s13], $0x4000  }
0x1a0: {  	[sflag:s13] =	ssyncset.done $0x0  }
0x1a1: {  	[sflag:s13] =	ssyncadd.s32 $0xFFFFC000  }
0x1a2: {  	_ =	swait.ge [sflag:s11], $0x4000  }
0x1a3: {  	[sflag:s11] =	ssyncset.done $0x0  }
0x1a4: {  	[sflag:s11] =	ssyncadd.s32 $0xFFFFC000  }
0x1a5: {  	_ =	swait.ge [sflag:s10], $0x4000  }
0x1a6: {  	[sflag:s10] =	ssyncset.done $0x0  }
0x1a7: {  	[sflag:s10] =	ssyncadd.s32 $0xFFFFC000  }
0x1a8: {  	_ =	sfence.sel $0x180000  }
0x1a9: {  	[bflag:$0x0] =	sbarrier.arrive $0xFFFF  }
0x1aa: {  	_ =	strace $0x90000047  }
0x1ab: {  	s0 =	sadd.s32 @!p0 $0x100000, s28;
	[bflag:$0x2] =	sbarrier.arrive $0xFFFF  }
0x1ac: {  	[sflag:s0] =	ssyncadd.tile.s32 @!p0 $0x1;
	_ =	shalt  }
.LBB2_2:
.Ltmp3:
0x1ad: {  	(pc) =	sbr.rel .LBB2_5-.Ltmp3, $2  }
0x1ae: {  	_ =	sdelay $0x2  }
0x1af: {  	s28 =	rddreg [dreg:$0x9]  }
.Lfunc_end2:
_tile_overlayer_lowered:
.L_overlay_start_2:
0x1b0: {  	(tag) =	ssettag $0x2  }
0x1b1: {  	s0 =	rddreg [dreg:$0x0];
	s2 =	stileid.u32  }
0x1b2: {  	s1 =	rddreg [dreg:$0x1];
	p0 =	sne.s32 s2, $0x0  }
0x1b3: {  	s3 =	rddreg [dreg:$0x2];
	[bflag:$0x3] =	sbarrier.arrive $0xFFFF;
	s2 =	simm.s32 @!p0 $0x1C12  }
0x1b4: {  	[timem:s3], [sflag:s2] =	dma.local @!p0 [hbm:s0], s1  }
0x1b5: {  	s0 =	simm.s32 @!p0 $0x12  }
0x1b6: {  	_ =	swait.ge @!p0 [sflag:s0], s1  }
0x1b7: {  	s1 =	ssub.s32 @!p0 $0x0, s1;
	[sflag:s0] =	ssyncset.done @!p0 $0x0  }
0x1b8: {  	[sflag:s0] =	ssyncadd.s32 @!p0 s1  }
0x1b9: {  	[bflag:$0x3] =	sbarrier.arrive $0xFFFF  }
0x1ba: {  	_ =	shalt  }

</sc_bundles>
